<compile_context>
chip_gen: v7x
topology: tpu7x:2x2x1
jax: 0.10.2.dev20260603
libtpu: 0.0.44.dev20260713+nightly
codegen_flags: <defaults>
</compile_context>

<pallas_src>
import functools

import jax
import jax.numpy as jnp
from jax import lax
from jax.experimental import pallas as pl
from jax.experimental.pallas import tpu as pltpu
from jax.experimental.pallas import tpu_sc as plsc

VOCAB = 8192
D = 8192
B = 8192

NC = 2
NS = 16
NW = NC * NS
BPW = B // NW
CHUNK = 4
NCHUNK = BPW // CHUNK
NBUF = 3


@jax.jit
def _sc_gather(idx, table):
    mesh = plsc.VectorSubcoreMesh(core_axis_name="c", subcore_axis_name="s")

    @functools.partial(
        pl.kernel,
        out_type=jax.ShapeDtypeStruct((B, D), jnp.float32),
        mesh=mesh,
        scratch_types=[
            pltpu.VMEM((NCHUNK, CHUNK), jnp.int32),
            pltpu.VMEM((NBUF, CHUNK, D), jnp.float32),
            pltpu.SemaphoreType.DMA,
            pltpu.SemaphoreType.DMA,
            pltpu.SemaphoreType.DMA,
            pltpu.SemaphoreType.DMA,
            pltpu.SemaphoreType.DMA,
            pltpu.SemaphoreType.DMA,
        ],
    )
    def k(idx_hbm, table_hbm, out_hbm, idx_v, bufs, g0, g1, g2, s0, s1, s2):
        wid = lax.axis_index("s") * NC + lax.axis_index("c")
        base = wid * BPW
        pltpu.sync_copy(idx_hbm.at[wid], idx_v)

        gsems = (g0, g1, g2)
        ssems = (s0, s1, s2)

        def g_start(c, b):
            pltpu.async_copy(table_hbm.at[idx_v.at[c]], bufs.at[b], gsems[b])

        def g_wait(b):
            pltpu.make_async_copy(
                table_hbm.at[pl.ds(0, CHUNK)], bufs.at[b], gsems[b]
            ).wait()

        def s_start(c, b):
            pltpu.async_copy(
                bufs.at[b], out_hbm.at[pl.ds(base + c * CHUNK, CHUNK)], ssems[b]
            )

        def s_wait(b):
            pltpu.make_async_copy(
                bufs.at[b], out_hbm.at[pl.ds(base, CHUNK)], ssems[b]
            ).wait()

        def step(c, b, refill, first_wave):
            g_wait(b)
            s_start(c, b)
            if refill:
                bn = (b + 2) % NBUF
                if not first_wave:
                    s_wait(bn)
                g_start(c + 2, bn)

        g_start(0, 0)
        g_start(1, 1)
        step(0, 0, refill=True, first_wave=True)
        step(1, 1, refill=True, first_wave=False)
        step(2, 2, refill=True, first_wave=False)

        def group(j, carry):
            c = 3 * j
            step(c, 0, refill=True, first_wave=False)
            step(c + 1, 1, refill=True, first_wave=False)
            step(c + 2, 2, refill=True, first_wave=False)
            return carry

        lax.fori_loop(1, NCHUNK // 3 - 1, group, 0)

        step(60, 0, refill=True, first_wave=False)
        step(61, 1, refill=True, first_wave=False)
        step(62, 2, refill=False, first_wave=False)
        step(63, 0, refill=False, first_wave=False)
        s_wait(1)
        s_wait(2)
        s_wait(0)

    return k(idx, table)


def kernel(X, embed_weight):
    idx = X.reshape(NW, NCHUNK, CHUNK)
    out = _sc_gather(idx, embed_weight)
    return out.reshape(X.shape[0], X.shape[1], embed_weight.shape[1])

# --- scband reference (transcript-rebuilt; emitter-appended) ---
"""Pipeline reference for scband-bigram-model-549755813912 (READ-ONLY COPY).

The authoritative reference and input builder live on the scoring server;
editing this copy changes nothing except your own understanding.
"""

import jax, jax.numpy as jnp
import numpy as np

VOCAB_SZ = 8192
BATCH = 4
SEQ = 2048


def setup_inputs(seed: int = 0) -> dict:
    key = jax.random.key(seed)
    k1, k2 = jax.random.split(key)
    X = jax.random.randint(k1, (BATCH, SEQ), 0, VOCAB_SZ, dtype=jnp.int32)
    # nn.Embedding default init is N(0,1); the model then scales weights by 0.01
    embed_weight = jax.random.normal(k2, (VOCAB_SZ, VOCAB_SZ), dtype=jnp.float32) * 0.01
    return {"X": X, "embed_weight": embed_weight}


def reference(X, embed_weight):
    # BigramModel.forward with target=None: logits = embedding lookup, loss = None
    out = jnp.take(embed_weight, X, axis=0)  # [B, T, vocab_sz]
    return out

if __name__ == "__main__":
    import jax
    _d = setup_inputs()
    print(jax.jit(kernel)(*tuple(_d.values())))

</pallas_src>

<mosaic_0001>
#map = affine_map<(d0, d1) -> (0, 0, 0)>
#map1 = affine_map<(d0, d1) -> (0, 0)>
module attributes {stable_mosaic.version = 14 : i64} {
  func.func @k(%arg0: i32, %arg1: i32, %arg2: memref<32x64x4xi32, #tpu.memory_space<hbm>>, %arg3: memref<8192x8192xf32, #tpu.memory_space<hbm>>, %arg4: memref<8192x8192xf32, #tpu.memory_space<hbm>>, %arg5: memref<64x4xi32, #tpu.memory_space<vmem>>, %arg6: memref<3x4x8192xf32, #tpu.memory_space<vmem>>, %arg7: memref<!tpu.dma_semaphore, #tpu.memory_space<semaphore_mem>>, %arg8: memref<!tpu.dma_semaphore, #tpu.memory_space<semaphore_mem>>, %arg9: memref<!tpu.dma_semaphore, #tpu.memory_space<semaphore_mem>>, %arg10: memref<!tpu.dma_semaphore, #tpu.memory_space<semaphore_mem>>, %arg11: memref<!tpu.dma_semaphore, #tpu.memory_space<semaphore_mem>>, %arg12: memref<!tpu.dma_semaphore, #tpu.memory_space<semaphore_mem>>) attributes {dimension_semantics = [#tpu.dimension_semantics<core_parallel>, #tpu.dimension_semantics<subcore_parallel>], iteration_bounds = array<i64: 2, 16>, scalar_prefetch = 0 : i64, scratch_operands = 8 : i64, tpu.core_type = #tpu.core_type<sc_vector_subcore>, window_params = [{transform_indices = #map}, {transform_indices = #map1}, {transform_indices = #map1}]} {
    %mul3A = arith.constant 2 : i32
    %mul3A_0 = arith.muli %arg1, %mul3A : i32
    %add3A = arith.addi %mul3A_0, %arg0 : i32
    %mul3A_1 = arith.constant 256 : i32
    %mul3A_2 = arith.muli %add3A, %mul3A_1 : i32
    "tpu.region"() ({
      %run_scoped3A = tpu.sem_alloc : memref<!tpu.dma_semaphore, #tpu.memory_space<semaphore_mem>>
      %dma_start3A_391 = arith.constant 0 : i32
      %dma_start3A_392 = arith.constant 0 : i32
      %dma_start3A_393 = tpu.memref_slice %arg2[%add3A, %dma_start3A_391, %dma_start3A_392] : memref<32x64x4xi32, #tpu.memory_space<hbm>> -> memref<1x64x4xi32, #tpu.memory_space<hbm>>
      %dma_start3A_394 = tpu.memref_squeeze %dma_start3A_393 : memref<1x64x4xi32, #tpu.memory_space<hbm>> -> memref<64x4xi32, #tpu.memory_space<hbm>>
      %dma_start3A_395 = arith.constant 0 : i32
      %dma_start3A_396 = arith.constant 0 : i32
      %dma_start3A_397 = tpu.memref_slice %arg2[%add3A, %dma_start3A_395, %dma_start3A_396] : memref<32x64x4xi32, #tpu.memory_space<hbm>> -> memref<1x64x4xi32, #tpu.memory_space<hbm>>
      %dma_start3A_398 = tpu.memref_squeeze %dma_start3A_397 : memref<1x64x4xi32, #tpu.memory_space<hbm>> -> memref<64x4xi32, #tpu.memory_space<hbm>>
      tpu.enqueue_dma source(%dma_start3A_398 : memref<64x4xi32, #tpu.memory_space<hbm>>) target(%arg5 : memref<64x4xi32, #tpu.memory_space<vmem>>) target_semaphore(%run_scoped3A : memref<!tpu.dma_semaphore, #tpu.memory_space<semaphore_mem>>)
      %dma_wait3A_399 = arith.constant 0 : i32
      %dma_wait3A_400 = arith.constant 0 : i32
      %dma_wait3A_401 = tpu.memref_slice %arg2[%add3A, %dma_wait3A_399, %dma_wait3A_400] : memref<32x64x4xi32, #tpu.memory_space<hbm>> -> memref<1x64x4xi32, #tpu.memory_space<hbm>>
      %dma_wait3A_402 = tpu.memref_squeeze %dma_wait3A_401 : memref<1x64x4xi32, #tpu.memory_space<hbm>> -> memref<64x4xi32, #tpu.memory_space<hbm>>
      %dma_wait3A_403 = arith.constant 0 : i32
      %dma_wait3A_404 = arith.constant 0 : i32
      %dma_wait3A_405 = tpu.memref_slice %arg2[%add3A, %dma_wait3A_403, %dma_wait3A_404] : memref<32x64x4xi32, #tpu.memory_space<hbm>> -> memref<1x64x4xi32, #tpu.memory_space<hbm>>
      %dma_wait3A_406 = tpu.memref_squeeze %dma_wait3A_405 : memref<1x64x4xi32, #tpu.memory_space<hbm>> -> memref<64x4xi32, #tpu.memory_space<hbm>>
      tpu.wait_dma2 semaphore(%run_scoped3A : memref<!tpu.dma_semaphore, #tpu.memory_space<semaphore_mem>>) src(%dma_wait3A_406 : memref<64x4xi32, #tpu.memory_space<hbm>>) dst(%arg5 : memref<64x4xi32, #tpu.memory_space<vmem>>)
      tpu.yield
    }) : () -> ()
    %dma_start3A = arith.constant 0 : i32
    %dma_start3A_3 = arith.constant 0 : i32
    %dma_start3A_4 = arith.constant 0 : i32
    %dma_start3A_5 = arith.constant 0 : i32
    %dma_start3A_6 = tpu.memref_slice %arg6[%dma_start3A_3, %dma_start3A_4, %dma_start3A_5] : memref<3x4x8192xf32, #tpu.memory_space<vmem>> -> memref<1x4x8192xf32, #tpu.memory_space<vmem>>
    %dma_start3A_7 = tpu.memref_squeeze %dma_start3A_6 : memref<1x4x8192xf32, #tpu.memory_space<vmem>> -> memref<4x8192xf32, #tpu.memory_space<vmem>>
    %dma_start3A_8 = arith.constant 0 : i32
    %dma_start3A_9 = tpu.memref_slice %arg5[%dma_start3A, %dma_start3A_8] : memref<64x4xi32, #tpu.memory_space<vmem>> -> memref<1x4xi32, #tpu.memory_space<vmem>>
    %dma_start3A_10 = tpu.memref_squeeze %dma_start3A_9 : memref<1x4xi32, #tpu.memory_space<vmem>> -> memref<4xi32, #tpu.memory_space<vmem>>
    %dma_start3A_11 = arith.constant 0 : i32
    %dma_start3A_12 = arith.constant 0 : i32
    %dma_start3A_13 = tpu.memref_slice %arg3[%dma_start3A_11, %dma_start3A_12] : memref<8192x8192xf32, #tpu.memory_space<hbm>> -> memref<8192x8192xf32, #tpu.memory_space<hbm>>
    tpu.enqueue_indirect_dma source(%dma_start3A_13 : memref<8192x8192xf32, #tpu.memory_space<hbm>>) target(%dma_start3A_7 : memref<4x8192xf32, #tpu.memory_space<vmem>>) offsets(%dma_start3A_10 : memref<4xi32, #tpu.memory_space<vmem>>) semaphore(%arg7 : memref<!tpu.dma_semaphore, #tpu.memory_space<semaphore_mem>>)
    %dma_start3A_14 = arith.constant 1 : i32
    %dma_start3A_15 = arith.constant 1 : i32
    %dma_start3A_16 = arith.constant 0 : i32
    %dma_start3A_17 = arith.constant 0 : i32
    %dma_start3A_18 = tpu.memref_slice %arg6[%dma_start3A_15, %dma_start3A_16, %dma_start3A_17] : memref<3x4x8192xf32, #tpu.memory_space<vmem>> -> memref<1x4x8192xf32, #tpu.memory_space<vmem>>
    %dma_start3A_19 = tpu.memref_squeeze %dma_start3A_18 : memref<1x4x8192xf32, #tpu.memory_space<vmem>> -> memref<4x8192xf32, #tpu.memory_space<vmem>>
    %dma_start3A_20 = arith.constant 0 : i32
    %dma_start3A_21 = tpu.memref_slice %arg5[%dma_start3A_14, %dma_start3A_20] : memref<64x4xi32, #tpu.memory_space<vmem>> -> memref<1x4xi32, #tpu.memory_space<vmem>>
    %dma_start3A_22 = tpu.memref_squeeze %dma_start3A_21 : memref<1x4xi32, #tpu.memory_space<vmem>> -> memref<4xi32, #tpu.memory_space<vmem>>
    %dma_start3A_23 = arith.constant 0 : i32
    %dma_start3A_24 = arith.constant 0 : i32
    %dma_start3A_25 = tpu.memref_slice %arg3[%dma_start3A_23, %dma_start3A_24] : memref<8192x8192xf32, #tpu.memory_space<hbm>> -> memref<8192x8192xf32, #tpu.memory_space<hbm>>
    tpu.enqueue_indirect_dma source(%dma_start3A_25 : memref<8192x8192xf32, #tpu.memory_space<hbm>>) target(%dma_start3A_19 : memref<4x8192xf32, #tpu.memory_space<vmem>>) offsets(%dma_start3A_22 : memref<4xi32, #tpu.memory_space<vmem>>) semaphore(%arg8 : memref<!tpu.dma_semaphore, #tpu.memory_space<semaphore_mem>>)
    %dma_wait3A = arith.constant 0 : i32
    %dma_wait3A_26 = arith.constant 0 : i32
    %dma_wait3A_27 = arith.constant 0 : i32
    %dma_wait3A_28 = tpu.memref_slice %arg6[%dma_wait3A, %dma_wait3A_26, %dma_wait3A_27] : memref<3x4x8192xf32, #tpu.memory_space<vmem>> -> memref<1x4x8192xf32, #tpu.memory_space<vmem>>
    %dma_wait3A_29 = tpu.memref_squeeze %dma_wait3A_28 : memref<1x4x8192xf32, #tpu.memory_space<vmem>> -> memref<4x8192xf32, #tpu.memory_space<vmem>>
    %dma_wait3A_30 = arith.constant 0 : i32
    %dma_wait3A_31 = arith.constant 0 : i32
    %dma_wait3A_32 = tpu.memref_slice %arg3[%dma_wait3A_30, %dma_wait3A_31] : memref<8192x8192xf32, #tpu.memory_space<hbm>> -> memref<4x8192xf32, #tpu.memory_space<hbm>>
    %dma_wait3A_33 = arith.constant 0 : i32
    %dma_wait3A_34 = arith.constant 0 : i32
    %dma_wait3A_35 = tpu.memref_slice %arg6[%dma_wait3A, %dma_wait3A_33, %dma_wait3A_34] : memref<3x4x8192xf32, #tpu.memory_space<vmem>> -> memref<1x4x8192xf32, #tpu.memory_space<vmem>>
    %dma_wait3A_36 = tpu.memref_squeeze %dma_wait3A_35 : memref<1x4x8192xf32, #tpu.memory_space<vmem>> -> memref<4x8192xf32, #tpu.memory_space<vmem>>
    %dma_wait3A_37 = arith.constant 0 : i32
    %dma_wait3A_38 = arith.constant 0 : i32
    %dma_wait3A_39 = tpu.memref_slice %arg3[%dma_wait3A_37, %dma_wait3A_38] : memref<8192x8192xf32, #tpu.memory_space<hbm>> -> memref<4x8192xf32, #tpu.memory_space<hbm>>
    tpu.wait_dma2 semaphore(%arg7 : memref<!tpu.dma_semaphore, #tpu.memory_space<semaphore_mem>>) src(%dma_wait3A_39 : memref<4x8192xf32, #tpu.memory_space<hbm>>) dst(%dma_wait3A_36 : memref<4x8192xf32, #tpu.memory_space<vmem>>)
    %add3A_40 = arith.constant 0 : i32
    %add3A_41 = arith.addi %mul3A_2, %add3A_40 : i32
    %dma_start3A_42 = arith.constant 0 : i32
    %dma_start3A_43 = arith.constant 0 : i32
    %dma_start3A_44 = arith.constant 0 : i32
    %dma_start3A_45 = tpu.memref_slice %arg6[%dma_start3A_42, %dma_start3A_43, %dma_start3A_44] : memref<3x4x8192xf32, #tpu.memory_space<vmem>> -> memref<1x4x8192xf32, #tpu.memory_space<vmem>>
    %dma_start3A_46 = tpu.memref_squeeze %dma_start3A_45 : memref<1x4x8192xf32, #tpu.memory_space<vmem>> -> memref<4x8192xf32, #tpu.memory_space<vmem>>
    %dma_start3A_47 = arith.constant 0 : i32
    %dma_start3A_48 = tpu.memref_slice %arg4[%add3A_41, %dma_start3A_47] : memref<8192x8192xf32, #tpu.memory_space<hbm>> -> memref<4x8192xf32, #tpu.memory_space<hbm>>
    %dma_start3A_49 = arith.constant 0 : i32
    %dma_start3A_50 = tpu.memref_slice %arg4[%add3A_41, %dma_start3A_49] : memref<8192x8192xf32, #tpu.memory_space<hbm>> -> memref<4x8192xf32, #tpu.memory_space<hbm>>
    %dma_start3A_51 = arith.constant 0 : i32
    %dma_start3A_52 = arith.constant 0 : i32
    %dma_start3A_53 = tpu.memref_slice %arg6[%dma_start3A_42, %dma_start3A_51, %dma_start3A_52] : memref<3x4x8192xf32, #tpu.memory_space<vmem>> -> memref<1x4x8192xf32, #tpu.memory_space<vmem>>
    %dma_start3A_54 = tpu.memref_squeeze %dma_start3A_53 : memref<1x4x8192xf32, #tpu.memory_space<vmem>> -> memref<4x8192xf32, #tpu.memory_space<vmem>>
    tpu.enqueue_dma source(%dma_start3A_54 : memref<4x8192xf32, #tpu.memory_space<vmem>>) target(%dma_start3A_50 : memref<4x8192xf32, #tpu.memory_space<hbm>>) target_semaphore(%arg10 : memref<!tpu.dma_semaphore, #tpu.memory_space<semaphore_mem>>)
    %dma_start3A_55 = arith.constant 2 : i32
    %dma_start3A_56 = arith.constant 2 : i32
    %dma_start3A_57 = arith.constant 0 : i32
    %dma_start3A_58 = arith.constant 0 : i32
    %dma_start3A_59 = tpu.memref_slice %arg6[%dma_start3A_56, %dma_start3A_57, %dma_start3A_58] : memref<3x4x8192xf32, #tpu.memory_space<vmem>> -> memref<1x4x8192xf32, #tpu.memory_space<vmem>>
    %dma_start3A_60 = tpu.memref_squeeze %dma_start3A_59 : memref<1x4x8192xf32, #tpu.memory_space<vmem>> -> memref<4x8192xf32, #tpu.memory_space<vmem>>
    %dma_start3A_61 = arith.constant 0 : i32
    %dma_start3A_62 = tpu.memref_slice %arg5[%dma_start3A_55, %dma_start3A_61] : memref<64x4xi32, #tpu.memory_space<vmem>> -> memref<1x4xi32, #tpu.memory_space<vmem>>
    %dma_start3A_63 = tpu.memref_squeeze %dma_start3A_62 : memref<1x4xi32, #tpu.memory_space<vmem>> -> memref<4xi32, #tpu.memory_space<vmem>>
    %dma_start3A_64 = arith.constant 0 : i32
    %dma_start3A_65 = arith.constant 0 : i32
    %dma_start3A_66 = tpu.memref_slice %arg3[%dma_start3A_64, %dma_start3A_65] : memref<8192x8192xf32, #tpu.memory_space<hbm>> -> memref<8192x8192xf32, #tpu.memory_space<hbm>>
    tpu.enqueue_indirect_dma source(%dma_start3A_66 : memref<8192x8192xf32, #tpu.memory_space<hbm>>) target(%dma_start3A_60 : memref<4x8192xf32, #tpu.memory_space<vmem>>) offsets(%dma_start3A_63 : memref<4xi32, #tpu.memory_space<vmem>>) semaphore(%arg9 : memref<!tpu.dma_semaphore, #tpu.memory_space<semaphore_mem>>)
    %dma_wait3A_67 = arith.constant 1 : i32
    %dma_wait3A_68 = arith.constant 0 : i32
    %dma_wait3A_69 = arith.constant 0 : i32
    %dma_wait3A_70 = tpu.memref_slice %arg6[%dma_wait3A_67, %dma_wait3A_68, %dma_wait3A_69] : memref<3x4x8192xf32, #tpu.memory_space<vmem>> -> memref<1x4x8192xf32, #tpu.memory_space<vmem>>
    %dma_wait3A_71 = tpu.memref_squeeze %dma_wait3A_70 : memref<1x4x8192xf32, #tpu.memory_space<vmem>> -> memref<4x8192xf32, #tpu.memory_space<vmem>>
    %dma_wait3A_72 = arith.constant 0 : i32
    %dma_wait3A_73 = arith.constant 0 : i32
    %dma_wait3A_74 = tpu.memref_slice %arg3[%dma_wait3A_72, %dma_wait3A_73] : memref<8192x8192xf32, #tpu.memory_space<hbm>> -> memref<4x8192xf32, #tpu.memory_space<hbm>>
    %dma_wait3A_75 = arith.constant 0 : i32
    %dma_wait3A_76 = arith.constant 0 : i32
    %dma_wait3A_77 = tpu.memref_slice %arg6[%dma_wait3A_67, %dma_wait3A_75, %dma_wait3A_76] : memref<3x4x8192xf32, #tpu.memory_space<vmem>> -> memref<1x4x8192xf32, #tpu.memory_space<vmem>>
    %dma_wait3A_78 = tpu.memref_squeeze %dma_wait3A_77 : memref<1x4x8192xf32, #tpu.memory_space<vmem>> -> memref<4x8192xf32, #tpu.memory_space<vmem>>
    %dma_wait3A_79 = arith.constant 0 : i32
    %dma_wait3A_80 = arith.constant 0 : i32
    %dma_wait3A_81 = tpu.memref_slice %arg3[%dma_wait3A_79, %dma_wait3A_80] : memref<8192x8192xf32, #tpu.memory_space<hbm>> -> memref<4x8192xf32, #tpu.memory_space<hbm>>
    tpu.wait_dma2 semaphore(%arg8 : memref<!tpu.dma_semaphore, #tpu.memory_space<semaphore_mem>>) src(%dma_wait3A_81 : memref<4x8192xf32, #tpu.memory_space<hbm>>) dst(%dma_wait3A_78 : memref<4x8192xf32, #tpu.memory_space<vmem>>)
    %add3A_82 = arith.constant 4 : i32
    %add3A_83 = arith.addi %mul3A_2, %add3A_82 : i32
    %dma_start3A_84 = arith.constant 1 : i32
    %dma_start3A_85 = arith.constant 0 : i32
    %dma_start3A_86 = arith.constant 0 : i32
    %dma_start3A_87 = tpu.memref_slice %arg6[%dma_start3A_84, %dma_start3A_85, %dma_start3A_86] : memref<3x4x8192xf32, #tpu.memory_space<vmem>> -> memref<1x4x8192xf32, #tpu.memory_space<vmem>>
    %dma_start3A_88 = tpu.memref_squeeze %dma_start3A_87 : memref<1x4x8192xf32, #tpu.memory_space<vmem>> -> memref<4x8192xf32, #tpu.memory_space<vmem>>
    %dma_start3A_89 = arith.constant 0 : i32
    %dma_start3A_90 = tpu.memref_slice %arg4[%add3A_83, %dma_start3A_89] : memref<8192x8192xf32, #tpu.memory_space<hbm>> -> memref<4x8192xf32, #tpu.memory_space<hbm>>
    %dma_start3A_91 = arith.constant 0 : i32
    %dma_start3A_92 = tpu.memref_slice %arg4[%add3A_83, %dma_start3A_91] : memref<8192x8192xf32, #tpu.memory_space<hbm>> -> memref<4x8192xf32, #tpu.memory_space<hbm>>
    %dma_start3A_93 = arith.constant 0 : i32
    %dma_start3A_94 = arith.constant 0 : i32
    %dma_start3A_95 = tpu.memref_slice %arg6[%dma_start3A_84, %dma_start3A_93, %dma_start3A_94] : memref<3x4x8192xf32, #tpu.memory_space<vmem>> -> memref<1x4x8192xf32, #tpu.memory_space<vmem>>
    %dma_start3A_96 = tpu.memref_squeeze %dma_start3A_95 : memref<1x4x8192xf32, #tpu.memory_space<vmem>> -> memref<4x8192xf32, #tpu.memory_space<vmem>>
    tpu.enqueue_dma source(%dma_start3A_96 : memref<4x8192xf32, #tpu.memory_space<vmem>>) target(%dma_start3A_92 : memref<4x8192xf32, #tpu.memory_space<hbm>>) target_semaphore(%arg11 : memref<!tpu.dma_semaphore, #tpu.memory_space<semaphore_mem>>)
    %dma_wait3A_97 = arith.constant 0 : i32
    %dma_wait3A_98 = arith.constant 0 : i32
    %dma_wait3A_99 = arith.constant 0 : i32
    %dma_wait3A_100 = tpu.memref_slice %arg6[%dma_wait3A_97, %dma_wait3A_98, %dma_wait3A_99] : memref<3x4x8192xf32, #tpu.memory_space<vmem>> -> memref<1x4x8192xf32, #tpu.memory_space<vmem>>
    %dma_wait3A_101 = tpu.memref_squeeze %dma_wait3A_100 : memref<1x4x8192xf32, #tpu.memory_space<vmem>> -> memref<4x8192xf32, #tpu.memory_space<vmem>>
    %dma_wait3A_102 = arith.constant 0 : i32
    %dma_wait3A_103 = tpu.memref_slice %arg4[%mul3A_2, %dma_wait3A_102] : memref<8192x8192xf32, #tpu.memory_space<hbm>> -> memref<4x8192xf32, #tpu.memory_space<hbm>>
    %dma_wait3A_104 = arith.constant 0 : i32
    %dma_wait3A_105 = tpu.memref_slice %arg4[%mul3A_2, %dma_wait3A_104] : memref<8192x8192xf32, #tpu.memory_space<hbm>> -> memref<4x8192xf32, #tpu.memory_space<hbm>>
    %dma_wait3A_106 = arith.constant 0 : i32
    %dma_wait3A_107 = arith.constant 0 : i32
    %dma_wait3A_108 = tpu.memref_slice %arg6[%dma_wait3A_97, %dma_wait3A_106, %dma_wait3A_107] : memref<3x4x8192xf32, #tpu.memory_space<vmem>> -> memref<1x4x8192xf32, #tpu.memory_space<vmem>>
    %dma_wait3A_109 = tpu.memref_squeeze %dma_wait3A_108 : memref<1x4x8192xf32, #tpu.memory_space<vmem>> -> memref<4x8192xf32, #tpu.memory_space<vmem>>
    tpu.wait_dma2 semaphore(%arg10 : memref<!tpu.dma_semaphore, #tpu.memory_space<semaphore_mem>>) src(%dma_wait3A_109 : memref<4x8192xf32, #tpu.memory_space<vmem>>) dst(%dma_wait3A_105 : memref<4x8192xf32, #tpu.memory_space<hbm>>)
    %dma_start3A_110 = arith.constant 3 : i32
    %dma_start3A_111 = arith.constant 0 : i32
    %dma_start3A_112 = arith.constant 0 : i32
    %dma_start3A_113 = arith.constant 0 : i32
    %dma_start3A_114 = tpu.memref_slice %arg6[%dma_start3A_111, %dma_start3A_112, %dma_start3A_113] : memref<3x4x8192xf32, #tpu.memory_space<vmem>> -> memref<1x4x8192xf32, #tpu.memory_space<vmem>>
    %dma_start3A_115 = tpu.memref_squeeze %dma_start3A_114 : memref<1x4x8192xf32, #tpu.memory_space<vmem>> -> memref<4x8192xf32, #tpu.memory_space<vmem>>
    %dma_start3A_116 = arith.constant 0 : i32
    %dma_start3A_117 = tpu.memref_slice %arg5[%dma_start3A_110, %dma_start3A_116] : memref<64x4xi32, #tpu.memory_space<vmem>> -> memref<1x4xi32, #tpu.memory_space<vmem>>
    %dma_start3A_118 = tpu.memref_squeeze %dma_start3A_117 : memref<1x4xi32, #tpu.memory_space<vmem>> -> memref<4xi32, #tpu.memory_space<vmem>>
    %dma_start3A_119 = arith.constant 0 : i32
    %dma_start3A_120 = arith.constant 0 : i32
    %dma_start3A_121 = tpu.memref_slice %arg3[%dma_start3A_119, %dma_start3A_120] : memref<8192x8192xf32, #tpu.memory_space<hbm>> -> memref<8192x8192xf32, #tpu.memory_space<hbm>>
    tpu.enqueue_indirect_dma source(%dma_start3A_121 : memref<8192x8192xf32, #tpu.memory_space<hbm>>) target(%dma_start3A_115 : memref<4x8192xf32, #tpu.memory_space<vmem>>) offsets(%dma_start3A_118 : memref<4xi32, #tpu.memory_space<vmem>>) semaphore(%arg7 : memref<!tpu.dma_semaphore, #tpu.memory_space<semaphore_mem>>)
    %dma_wait3A_122 = arith.constant 2 : i32
    %dma_wait3A_123 = arith.constant 0 : i32
    %dma_wait3A_124 = arith.constant 0 : i32
    %dma_wait3A_125 = tpu.memref_slice %arg6[%dma_wait3A_122, %dma_wait3A_123, %dma_wait3A_124] : memref<3x4x8192xf32, #tpu.memory_space<vmem>> -> memref<1x4x8192xf32, #tpu.memory_space<vmem>>
    %dma_wait3A_126 = tpu.memref_squeeze %dma_wait3A_125 : memref<1x4x8192xf32, #tpu.memory_space<vmem>> -> memref<4x8192xf32, #tpu.memory_space<vmem>>
    %dma_wait3A_127 = arith.constant 0 : i32
    %dma_wait3A_128 = arith.constant 0 : i32
    %dma_wait3A_129 = tpu.memref_slice %arg3[%dma_wait3A_127, %dma_wait3A_128] : memref<8192x8192xf32, #tpu.memory_space<hbm>> -> memref<4x8192xf32, #tpu.memory_space<hbm>>
    %dma_wait3A_130 = arith.constant 0 : i32
    %dma_wait3A_131 = arith.constant 0 : i32
    %dma_wait3A_132 = tpu.memref_slice %arg6[%dma_wait3A_122, %dma_wait3A_130, %dma_wait3A_131] : memref<3x4x8192xf32, #tpu.memory_space<vmem>> -> memref<1x4x8192xf32, #tpu.memory_space<vmem>>
    %dma_wait3A_133 = tpu.memref_squeeze %dma_wait3A_132 : memref<1x4x8192xf32, #tpu.memory_space<vmem>> -> memref<4x8192xf32, #tpu.memory_space<vmem>>
    %dma_wait3A_134 = arith.constant 0 : i32
    %dma_wait3A_135 = arith.constant 0 : i32
    %dma_wait3A_136 = tpu.memref_slice %arg3[%dma_wait3A_134, %dma_wait3A_135] : memref<8192x8192xf32, #tpu.memory_space<hbm>> -> memref<4x8192xf32, #tpu.memory_space<hbm>>
    tpu.wait_dma2 semaphore(%arg9 : memref<!tpu.dma_semaphore, #tpu.memory_space<semaphore_mem>>) src(%dma_wait3A_136 : memref<4x8192xf32, #tpu.memory_space<hbm>>) dst(%dma_wait3A_133 : memref<4x8192xf32, #tpu.memory_space<vmem>>)
    %add3A_137 = arith.constant 8 : i32
    %add3A_138 = arith.addi %mul3A_2, %add3A_137 : i32
    %dma_start3A_139 = arith.constant 2 : i32
    %dma_start3A_140 = arith.constant 0 : i32
    %dma_start3A_141 = arith.constant 0 : i32
    %dma_start3A_142 = tpu.memref_slice %arg6[%dma_start3A_139, %dma_start3A_140, %dma_start3A_141] : memref<3x4x8192xf32, #tpu.memory_space<vmem>> -> memref<1x4x8192xf32, #tpu.memory_space<vmem>>
    %dma_start3A_143 = tpu.memref_squeeze %dma_start3A_142 : memref<1x4x8192xf32, #tpu.memory_space<vmem>> -> memref<4x8192xf32, #tpu.memory_space<vmem>>
    %dma_start3A_144 = arith.constant 0 : i32
    %dma_start3A_145 = tpu.memref_slice %arg4[%add3A_138, %dma_start3A_144] : memref<8192x8192xf32, #tpu.memory_space<hbm>> -> memref<4x8192xf32, #tpu.memory_space<hbm>>
    %dma_start3A_146 = arith.constant 0 : i32
    %dma_start3A_147 = tpu.memref_slice %arg4[%add3A_138, %dma_start3A_146] : memref<8192x8192xf32, #tpu.memory_space<hbm>> -> memref<4x8192xf32, #tpu.memory_space<hbm>>
    %dma_start3A_148 = arith.constant 0 : i32
    %dma_start3A_149 = arith.constant 0 : i32
    %dma_start3A_150 = tpu.memref_slice %arg6[%dma_start3A_139, %dma_start3A_148, %dma_start3A_149] : memref<3x4x8192xf32, #tpu.memory_space<vmem>> -> memref<1x4x8192xf32, #tpu.memory_space<vmem>>
    %dma_start3A_151 = tpu.memref_squeeze %dma_start3A_150 : memref<1x4x8192xf32, #tpu.memory_space<vmem>> -> memref<4x8192xf32, #tpu.memory_space<vmem>>
    tpu.enqueue_dma source(%dma_start3A_151 : memref<4x8192xf32, #tpu.memory_space<vmem>>) target(%dma_start3A_147 : memref<4x8192xf32, #tpu.memory_space<hbm>>) target_semaphore(%arg12 : memref<!tpu.dma_semaphore, #tpu.memory_space<semaphore_mem>>)
    %dma_wait3A_152 = arith.constant 1 : i32
    %dma_wait3A_153 = arith.constant 0 : i32
    %dma_wait3A_154 = arith.constant 0 : i32
    %dma_wait3A_155 = tpu.memref_slice %arg6[%dma_wait3A_152, %dma_wait3A_153, %dma_wait3A_154] : memref<3x4x8192xf32, #tpu.memory_space<vmem>> -> memref<1x4x8192xf32, #tpu.memory_space<vmem>>
    %dma_wait3A_156 = tpu.memref_squeeze %dma_wait3A_155 : memref<1x4x8192xf32, #tpu.memory_space<vmem>> -> memref<4x8192xf32, #tpu.memory_space<vmem>>
    %dma_wait3A_157 = arith.constant 0 : i32
    %dma_wait3A_158 = tpu.memref_slice %arg4[%mul3A_2, %dma_wait3A_157] : memref<8192x8192xf32, #tpu.memory_space<hbm>> -> memref<4x8192xf32, #tpu.memory_space<hbm>>
    %dma_wait3A_159 = arith.constant 0 : i32
    %dma_wait3A_160 = tpu.memref_slice %arg4[%mul3A_2, %dma_wait3A_159] : memref<8192x8192xf32, #tpu.memory_space<hbm>> -> memref<4x8192xf32, #tpu.memory_space<hbm>>
    %dma_wait3A_161 = arith.constant 0 : i32
    %dma_wait3A_162 = arith.constant 0 : i32
    %dma_wait3A_163 = tpu.memref_slice %arg6[%dma_wait3A_152, %dma_wait3A_161, %dma_wait3A_162] : memref<3x4x8192xf32, #tpu.memory_space<vmem>> -> memref<1x4x8192xf32, #tpu.memory_space<vmem>>
    %dma_wait3A_164 = tpu.memref_squeeze %dma_wait3A_163 : memref<1x4x8192xf32, #tpu.memory_space<vmem>> -> memref<4x8192xf32, #tpu.memory_space<vmem>>
    tpu.wait_dma2 semaphore(%arg11 : memref<!tpu.dma_semaphore, #tpu.memory_space<semaphore_mem>>) src(%dma_wait3A_164 : memref<4x8192xf32, #tpu.memory_space<vmem>>) dst(%dma_wait3A_160 : memref<4x8192xf32, #tpu.memory_space<hbm>>)
    %dma_start3A_165 = arith.constant 4 : i32
    %dma_start3A_166 = arith.constant 1 : i32
    %dma_start3A_167 = arith.constant 0 : i32
    %dma_start3A_168 = arith.constant 0 : i32
    %dma_start3A_169 = tpu.memref_slice %arg6[%dma_start3A_166, %dma_start3A_167, %dma_start3A_168] : memref<3x4x8192xf32, #tpu.memory_space<vmem>> -> memref<1x4x8192xf32, #tpu.memory_space<vmem>>
    %dma_start3A_170 = tpu.memref_squeeze %dma_start3A_169 : memref<1x4x8192xf32, #tpu.memory_space<vmem>> -> memref<4x8192xf32, #tpu.memory_space<vmem>>
    %dma_start3A_171 = arith.constant 0 : i32
    %dma_start3A_172 = tpu.memref_slice %arg5[%dma_start3A_165, %dma_start3A_171] : memref<64x4xi32, #tpu.memory_space<vmem>> -> memref<1x4xi32, #tpu.memory_space<vmem>>
    %dma_start3A_173 = tpu.memref_squeeze %dma_start3A_172 : memref<1x4xi32, #tpu.memory_space<vmem>> -> memref<4xi32, #tpu.memory_space<vmem>>
    %dma_start3A_174 = arith.constant 0 : i32
    %dma_start3A_175 = arith.constant 0 : i32
    %dma_start3A_176 = tpu.memref_slice %arg3[%dma_start3A_174, %dma_start3A_175] : memref<8192x8192xf32, #tpu.memory_space<hbm>> -> memref<8192x8192xf32, #tpu.memory_space<hbm>>
    tpu.enqueue_indirect_dma source(%dma_start3A_176 : memref<8192x8192xf32, #tpu.memory_space<hbm>>) target(%dma_start3A_170 : memref<4x8192xf32, #tpu.memory_space<vmem>>) offsets(%dma_start3A_173 : memref<4xi32, #tpu.memory_space<vmem>>) semaphore(%arg8 : memref<!tpu.dma_semaphore, #tpu.memory_space<semaphore_mem>>)
    %scan3A = arith.constant 0 : i32
    %scan3A_177 = arith.constant 1 : i32
    %scan3A_178 = arith.constant 19 : i32
    %scan3A_179 = arith.addi %scan3A_177, %scan3A_178 : i32
    %scan3A_180 = arith.constant 1 : i32
    scf.for %scan3A_391 = %scan3A_177 to %scan3A_179 step %scan3A_180  : i32 {
      %mul3A_392 = arith.constant 3 : i32
      %mul3A_393 = arith.muli %mul3A_392, %scan3A_391 : i32
      %dma_wait3A_394 = arith.constant 0 : i32
      %dma_wait3A_395 = arith.constant 0 : i32
      %dma_wait3A_396 = arith.constant 0 : i32
      %dma_wait3A_397 = tpu.memref_slice %arg6[%dma_wait3A_394, %dma_wait3A_395, %dma_wait3A_396] : memref<3x4x8192xf32, #tpu.memory_space<vmem>> -> memref<1x4x8192xf32, #tpu.memory_space<vmem>>
      %dma_wait3A_398 = tpu.memref_squeeze %dma_wait3A_397 : memref<1x4x8192xf32, #tpu.memory_space<vmem>> -> memref<4x8192xf32, #tpu.memory_space<vmem>>
      %dma_wait3A_399 = arith.constant 0 : i32
      %dma_wait3A_400 = arith.constant 0 : i32
      %dma_wait3A_401 = tpu.memref_slice %arg3[%dma_wait3A_399, %dma_wait3A_400] : memref<8192x8192xf32, #tpu.memory_space<hbm>> -> memref<4x8192xf32, #tpu.memory_space<hbm>>
      %dma_wait3A_402 = arith.constant 0 : i32
      %dma_wait3A_403 = arith.constant 0 : i32
      %dma_wait3A_404 = tpu.memref_slice %arg6[%dma_wait3A_394, %dma_wait3A_402, %dma_wait3A_403] : memref<3x4x8192xf32, #tpu.memory_space<vmem>> -> memref<1x4x8192xf32, #tpu.memory_space<vmem>>
      %dma_wait3A_405 = tpu.memref_squeeze %dma_wait3A_404 : memref<1x4x8192xf32, #tpu.memory_space<vmem>> -> memref<4x8192xf32, #tpu.memory_space<vmem>>
      %dma_wait3A_406 = arith.constant 0 : i32
      %dma_wait3A_407 = arith.constant 0 : i32
      %dma_wait3A_408 = tpu.memref_slice %arg3[%dma_wait3A_406, %dma_wait3A_407] : memref<8192x8192xf32, #tpu.memory_space<hbm>> -> memref<4x8192xf32, #tpu.memory_space<hbm>>
      tpu.wait_dma2 semaphore(%arg7 : memref<!tpu.dma_semaphore, #tpu.memory_space<semaphore_mem>>) src(%dma_wait3A_408 : memref<4x8192xf32, #tpu.memory_space<hbm>>) dst(%dma_wait3A_405 : memref<4x8192xf32, #tpu.memory_space<vmem>>)
      %mul3A_409 = arith.constant 4 : i32
      %mul3A_410 = arith.muli %mul3A_393, %mul3A_409 : i32
      %add3A_411 = arith.addi %mul3A_2, %mul3A_410 : i32
      %dma_start3A_412 = arith.constant 0 : i32
      %dma_start3A_413 = arith.constant 0 : i32
      %dma_start3A_414 = arith.constant 0 : i32
      %dma_start3A_415 = tpu.memref_slice %arg6[%dma_start3A_412, %dma_start3A_413, %dma_start3A_414] : memref<3x4x8192xf32, #tpu.memory_space<vmem>> -> memref<1x4x8192xf32, #tpu.memory_space<vmem>>
      %dma_start3A_416 = tpu.memref_squeeze %dma_start3A_415 : memref<1x4x8192xf32, #tpu.memory_space<vmem>> -> memref<4x8192xf32, #tpu.memory_space<vmem>>
      %dma_start3A_417 = arith.constant 0 : i32
      %dma_start3A_418 = tpu.memref_slice %arg4[%add3A_411, %dma_start3A_417] : memref<8192x8192xf32, #tpu.memory_space<hbm>> -> memref<4x8192xf32, #tpu.memory_space<hbm>>
      %dma_start3A_419 = arith.constant 0 : i32
      %dma_start3A_420 = tpu.memref_slice %arg4[%add3A_411, %dma_start3A_419] : memref<8192x8192xf32, #tpu.memory_space<hbm>> -> memref<4x8192xf32, #tpu.memory_space<hbm>>
      %dma_start3A_421 = arith.constant 0 : i32
      %dma_start3A_422 = arith.constant 0 : i32
      %dma_start3A_423 = tpu.memref_slice %arg6[%dma_start3A_412, %dma_start3A_421, %dma_start3A_422] : memref<3x4x8192xf32, #tpu.memory_space<vmem>> -> memref<1x4x8192xf32, #tpu.memory_space<vmem>>
      %dma_start3A_424 = tpu.memref_squeeze %dma_start3A_423 : memref<1x4x8192xf32, #tpu.memory_space<vmem>> -> memref<4x8192xf32, #tpu.memory_space<vmem>>
      tpu.enqueue_dma source(%dma_start3A_424 : memref<4x8192xf32, #tpu.memory_space<vmem>>) target(%dma_start3A_420 : memref<4x8192xf32, #tpu.memory_space<hbm>>) target_semaphore(%arg10 : memref<!tpu.dma_semaphore, #tpu.memory_space<semaphore_mem>>)
      %dma_wait3A_425 = arith.constant 2 : i32
      %dma_wait3A_426 = arith.constant 0 : i32
      %dma_wait3A_427 = arith.constant 0 : i32
      %dma_wait3A_428 = tpu.memref_slice %arg6[%dma_wait3A_425, %dma_wait3A_426, %dma_wait3A_427] : memref<3x4x8192xf32, #tpu.memory_space<vmem>> -> memref<1x4x8192xf32, #tpu.memory_space<vmem>>
      %dma_wait3A_429 = tpu.memref_squeeze %dma_wait3A_428 : memref<1x4x8192xf32, #tpu.memory_space<vmem>> -> memref<4x8192xf32, #tpu.memory_space<vmem>>
      %dma_wait3A_430 = arith.constant 0 : i32
      %dma_wait3A_431 = tpu.memref_slice %arg4[%mul3A_2, %dma_wait3A_430] : memref<8192x8192xf32, #tpu.memory_space<hbm>> -> memref<4x8192xf32, #tpu.memory_space<hbm>>
      %dma_wait3A_432 = arith.constant 0 : i32
      %dma_wait3A_433 = tpu.memref_slice %arg4[%mul3A_2, %dma_wait3A_432] : memref<8192x8192xf32, #tpu.memory_space<hbm>> -> memref<4x8192xf32, #tpu.memory_space<hbm>>
      %dma_wait3A_434 = arith.constant 0 : i32
      %dma_wait3A_435 = arith.constant 0 : i32
      %dma_wait3A_436 = tpu.memref_slice %arg6[%dma_wait3A_425, %dma_wait3A_434, %dma_wait3A_435] : memref<3x4x8192xf32, #tpu.memory_space<vmem>> -> memref<1x4x8192xf32, #tpu.memory_space<vmem>>
      %dma_wait3A_437 = tpu.memref_squeeze %dma_wait3A_436 : memref<1x4x8192xf32, #tpu.memory_space<vmem>> -> memref<4x8192xf32, #tpu.memory_space<vmem>>
      tpu.wait_dma2 semaphore(%arg12 : memref<!tpu.dma_semaphore, #tpu.memory_space<semaphore_mem>>) src(%dma_wait3A_437 : memref<4x8192xf32, #tpu.memory_space<vmem>>) dst(%dma_wait3A_433 : memref<4x8192xf32, #tpu.memory_space<hbm>>)
      %add3A_438 = arith.constant 2 : i32
      %add3A_439 = arith.addi %mul3A_393, %add3A_438 : i32
      %dma_start3A_440 = arith.constant 2 : i32
      %dma_start3A_441 = arith.constant 0 : i32
      %dma_start3A_442 = arith.constant 0 : i32
      %dma_start3A_443 = tpu.memref_slice %arg6[%dma_start3A_440, %dma_start3A_441, %dma_start3A_442] : memref<3x4x8192xf32, #tpu.memory_space<vmem>> -> memref<1x4x8192xf32, #tpu.memory_space<vmem>>
      %dma_start3A_444 = tpu.memref_squeeze %dma_start3A_443 : memref<1x4x8192xf32, #tpu.memory_space<vmem>> -> memref<4x8192xf32, #tpu.memory_space<vmem>>
      %dma_start3A_445 = arith.constant 0 : i32
      %dma_start3A_446 = tpu.memref_slice %arg5[%add3A_439, %dma_start3A_445] : memref<64x4xi32, #tpu.memory_space<vmem>> -> memref<1x4xi32, #tpu.memory_space<vmem>>
      %dma_start3A_447 = tpu.memref_squeeze %dma_start3A_446 : memref<1x4xi32, #tpu.memory_space<vmem>> -> memref<4xi32, #tpu.memory_space<vmem>>
      %dma_start3A_448 = arith.constant 0 : i32
      %dma_start3A_449 = arith.constant 0 : i32
      %dma_start3A_450 = tpu.memref_slice %arg3[%dma_start3A_448, %dma_start3A_449] : memref<8192x8192xf32, #tpu.memory_space<hbm>> -> memref<8192x8192xf32, #tpu.memory_space<hbm>>
      tpu.enqueue_indirect_dma source(%dma_start3A_450 : memref<8192x8192xf32, #tpu.memory_space<hbm>>) target(%dma_start3A_444 : memref<4x8192xf32, #tpu.memory_space<vmem>>) offsets(%dma_start3A_447 : memref<4xi32, #tpu.memory_space<vmem>>) semaphore(%arg9 : memref<!tpu.dma_semaphore, #tpu.memory_space<semaphore_mem>>)
      %add3A_451 = arith.constant 1 : i32
      %add3A_452 = arith.addi %mul3A_393, %add3A_451 : i32
      %dma_wait3A_453 = arith.constant 1 : i32
      %dma_wait3A_454 = arith.constant 0 : i32
      %dma_wait3A_455 = arith.constant 0 : i32
      %dma_wait3A_456 = tpu.memref_slice %arg6[%dma_wait3A_453, %dma_wait3A_454, %dma_wait3A_455] : memref<3x4x8192xf32, #tpu.memory_space<vmem>> -> memref<1x4x8192xf32, #tpu.memory_space<vmem>>
      %dma_wait3A_457 = tpu.memref_squeeze %dma_wait3A_456 : memref<1x4x8192xf32, #tpu.memory_space<vmem>> -> memref<4x8192xf32, #tpu.memory_space<vmem>>
      %dma_wait3A_458 = arith.constant 0 : i32
      %dma_wait3A_459 = arith.constant 0 : i32
      %dma_wait3A_460 = tpu.memref_slice %arg3[%dma_wait3A_458, %dma_wait3A_459] : memref<8192x8192xf32, #tpu.memory_space<hbm>> -> memref<4x8192xf32, #tpu.memory_space<hbm>>
      %dma_wait3A_461 = arith.constant 0 : i32
      %dma_wait3A_462 = arith.constant 0 : i32
      %dma_wait3A_463 = tpu.memref_slice %arg6[%dma_wait3A_453, %dma_wait3A_461, %dma_wait3A_462] : memref<3x4x8192xf32, #tpu.memory_space<vmem>> -> memref<1x4x8192xf32, #tpu.memory_space<vmem>>
      %dma_wait3A_464 = tpu.memref_squeeze %dma_wait3A_463 : memref<1x4x8192xf32, #tpu.memory_space<vmem>> -> memref<4x8192xf32, #tpu.memory_space<vmem>>
      %dma_wait3A_465 = arith.constant 0 : i32
      %dma_wait3A_466 = arith.constant 0 : i32
      %dma_wait3A_467 = tpu.memref_slice %arg3[%dma_wait3A_465, %dma_wait3A_466] : memref<8192x8192xf32, #tpu.memory_space<hbm>> -> memref<4x8192xf32, #tpu.memory_space<hbm>>
      tpu.wait_dma2 semaphore(%arg8 : memref<!tpu.dma_semaphore, #tpu.memory_space<semaphore_mem>>) src(%dma_wait3A_467 : memref<4x8192xf32, #tpu.memory_space<hbm>>) dst(%dma_wait3A_464 : memref<4x8192xf32, #tpu.memory_space<vmem>>)
      %mul3A_468 = arith.constant 4 : i32
      %mul3A_469 = arith.muli %add3A_452, %mul3A_468 : i32
      %add3A_470 = arith.addi %mul3A_2, %mul3A_469 : i32
      %dma_start3A_471 = arith.constant 1 : i32
      %dma_start3A_472 = arith.constant 0 : i32
      %dma_start3A_473 = arith.constant 0 : i32
      %dma_start3A_474 = tpu.memref_slice %arg6[%dma_start3A_471, %dma_start3A_472, %dma_start3A_473] : memref<3x4x8192xf32, #tpu.memory_space<vmem>> -> memref<1x4x8192xf32, #tpu.memory_space<vmem>>
      %dma_start3A_475 = tpu.memref_squeeze %dma_start3A_474 : memref<1x4x8192xf32, #tpu.memory_space<vmem>> -> memref<4x8192xf32, #tpu.memory_space<vmem>>
      %dma_start3A_476 = arith.constant 0 : i32
      %dma_start3A_477 = tpu.memref_slice %arg4[%add3A_470, %dma_start3A_476] : memref<8192x8192xf32, #tpu.memory_space<hbm>> -> memref<4x8192xf32, #tpu.memory_space<hbm>>
      %dma_start3A_478 = arith.constant 0 : i32
      %dma_start3A_479 = tpu.memref_slice %arg4[%add3A_470, %dma_start3A_478] : memref<8192x8192xf32, #tpu.memory_space<hbm>> -> memref<4x8192xf32, #tpu.memory_space<hbm>>
      %dma_start3A_480 = arith.constant 0 : i32
      %dma_start3A_481 = arith.constant 0 : i32
      %dma_start3A_482 = tpu.memref_slice %arg6[%dma_start3A_471, %dma_start3A_480, %dma_start3A_481] : memref<3x4x8192xf32, #tpu.memory_space<vmem>> -> memref<1x4x8192xf32, #tpu.memory_space<vmem>>
      %dma_start3A_483 = tpu.memref_squeeze %dma_start3A_482 : memref<1x4x8192xf32, #tpu.memory_space<vmem>> -> memref<4x8192xf32, #tpu.memory_space<vmem>>
      tpu.enqueue_dma source(%dma_start3A_483 : memref<4x8192xf32, #tpu.memory_space<vmem>>) target(%dma_start3A_479 : memref<4x8192xf32, #tpu.memory_space<hbm>>) target_semaphore(%arg11 : memref<!tpu.dma_semaphore, #tpu.memory_space<semaphore_mem>>)
      %dma_wait3A_484 = arith.constant 0 : i32
      %dma_wait3A_485 = arith.constant 0 : i32
      %dma_wait3A_486 = arith.constant 0 : i32
      %dma_wait3A_487 = tpu.memref_slice %arg6[%dma_wait3A_484, %dma_wait3A_485, %dma_wait3A_486] : memref<3x4x8192xf32, #tpu.memory_space<vmem>> -> memref<1x4x8192xf32, #tpu.memory_space<vmem>>
      %dma_wait3A_488 = tpu.memref_squeeze %dma_wait3A_487 : memref<1x4x8192xf32, #tpu.memory_space<vmem>> -> memref<4x8192xf32, #tpu.memory_space<vmem>>
      %dma_wait3A_489 = arith.constant 0 : i32
      %dma_wait3A_490 = tpu.memref_slice %arg4[%mul3A_2, %dma_wait3A_489] : memref<8192x8192xf32, #tpu.memory_space<hbm>> -> memref<4x8192xf32, #tpu.memory_space<hbm>>
      %dma_wait3A_491 = arith.constant 0 : i32
      %dma_wait3A_492 = tpu.memref_slice %arg4[%mul3A_2, %dma_wait3A_491] : memref<8192x8192xf32, #tpu.memory_space<hbm>> -> memref<4x8192xf32, #tpu.memory_space<hbm>>
      %dma_wait3A_493 = arith.constant 0 : i32
      %dma_wait3A_494 = arith.constant 0 : i32
      %dma_wait3A_495 = tpu.memref_slice %arg6[%dma_wait3A_484, %dma_wait3A_493, %dma_wait3A_494] : memref<3x4x8192xf32, #tpu.memory_space<vmem>> -> memref<1x4x8192xf32, #tpu.memory_space<vmem>>
      %dma_wait3A_496 = tpu.memref_squeeze %dma_wait3A_495 : memref<1x4x8192xf32, #tpu.memory_space<vmem>> -> memref<4x8192xf32, #tpu.memory_space<vmem>>
      tpu.wait_dma2 semaphore(%arg10 : memref<!tpu.dma_semaphore, #tpu.memory_space<semaphore_mem>>) src(%dma_wait3A_496 : memref<4x8192xf32, #tpu.memory_space<vmem>>) dst(%dma_wait3A_492 : memref<4x8192xf32, #tpu.memory_space<hbm>>)
      %add3A_497 = arith.constant 2 : i32
      %add3A_498 = arith.addi %add3A_452, %add3A_497 : i32
      %dma_start3A_499 = arith.constant 0 : i32
      %dma_start3A_500 = arith.constant 0 : i32
      %dma_start3A_501 = arith.constant 0 : i32
      %dma_start3A_502 = tpu.memref_slice %arg6[%dma_start3A_499, %dma_start3A_500, %dma_start3A_501] : memref<3x4x8192xf32, #tpu.memory_space<vmem>> -> memref<1x4x8192xf32, #tpu.memory_space<vmem>>
      %dma_start3A_503 = tpu.memref_squeeze %dma_start3A_502 : memref<1x4x8192xf32, #tpu.memory_space<vmem>> -> memref<4x8192xf32, #tpu.memory_space<vmem>>
      %dma_start3A_504 = arith.constant 0 : i32
      %dma_start3A_505 = tpu.memref_slice %arg5[%add3A_498, %dma_start3A_504] : memref<64x4xi32, #tpu.memory_space<vmem>> -> memref<1x4xi32, #tpu.memory_space<vmem>>
      %dma_start3A_506 = tpu.memref_squeeze %dma_start3A_505 : memref<1x4xi32, #tpu.memory_space<vmem>> -> memref<4xi32, #tpu.memory_space<vmem>>
      %dma_start3A_507 = arith.constant 0 : i32
      %dma_start3A_508 = arith.constant 0 : i32
      %dma_start3A_509 = tpu.memref_slice %arg3[%dma_start3A_507, %dma_start3A_508] : memref<8192x8192xf32, #tpu.memory_space<hbm>> -> memref<8192x8192xf32, #tpu.memory_space<hbm>>
      tpu.enqueue_indirect_dma source(%dma_start3A_509 : memref<8192x8192xf32, #tpu.memory_space<hbm>>) target(%dma_start3A_503 : memref<4x8192xf32, #tpu.memory_space<vmem>>) offsets(%dma_start3A_506 : memref<4xi32, #tpu.memory_space<vmem>>) semaphore(%arg7 : memref<!tpu.dma_semaphore, #tpu.memory_space<semaphore_mem>>)
      %add3A_510 = arith.constant 2 : i32
      %add3A_511 = arith.addi %mul3A_393, %add3A_510 : i32
      %dma_wait3A_512 = arith.constant 2 : i32
      %dma_wait3A_513 = arith.constant 0 : i32
      %dma_wait3A_514 = arith.constant 0 : i32
      %dma_wait3A_515 = tpu.memref_slice %arg6[%dma_wait3A_512, %dma_wait3A_513, %dma_wait3A_514] : memref<3x4x8192xf32, #tpu.memory_space<vmem>> -> memref<1x4x8192xf32, #tpu.memory_space<vmem>>
      %dma_wait3A_516 = tpu.memref_squeeze %dma_wait3A_515 : memref<1x4x8192xf32, #tpu.memory_space<vmem>> -> memref<4x8192xf32, #tpu.memory_space<vmem>>
      %dma_wait3A_517 = arith.constant 0 : i32
      %dma_wait3A_518 = arith.constant 0 : i32
      %dma_wait3A_519 = tpu.memref_slice %arg3[%dma_wait3A_517, %dma_wait3A_518] : memref<8192x8192xf32, #tpu.memory_space<hbm>> -> memref<4x8192xf32, #tpu.memory_space<hbm>>
      %dma_wait3A_520 = arith.constant 0 : i32
      %dma_wait3A_521 = arith.constant 0 : i32
      %dma_wait3A_522 = tpu.memref_slice %arg6[%dma_wait3A_512, %dma_wait3A_520, %dma_wait3A_521] : memref<3x4x8192xf32, #tpu.memory_space<vmem>> -> memref<1x4x8192xf32, #tpu.memory_space<vmem>>
      %dma_wait3A_523 = tpu.memref_squeeze %dma_wait3A_522 : memref<1x4x8192xf32, #tpu.memory_space<vmem>> -> memref<4x8192xf32, #tpu.memory_space<vmem>>
      %dma_wait3A_524 = arith.constant 0 : i32
      %dma_wait3A_525 = arith.constant 0 : i32
      %dma_wait3A_526 = tpu.memref_slice %arg3[%dma_wait3A_524, %dma_wait3A_525] : memref<8192x8192xf32, #tpu.memory_space<hbm>> -> memref<4x8192xf32, #tpu.memory_space<hbm>>
      tpu.wait_dma2 semaphore(%arg9 : memref<!tpu.dma_semaphore, #tpu.memory_space<semaphore_mem>>) src(%dma_wait3A_526 : memref<4x8192xf32, #tpu.memory_space<hbm>>) dst(%dma_wait3A_523 : memref<4x8192xf32, #tpu.memory_space<vmem>>)
      %mul3A_527 = arith.constant 4 : i32
      %mul3A_528 = arith.muli %add3A_511, %mul3A_527 : i32
      %add3A_529 = arith.addi %mul3A_2, %mul3A_528 : i32
      %dma_start3A_530 = arith.constant 2 : i32
      %dma_start3A_531 = arith.constant 0 : i32
      %dma_start3A_532 = arith.constant 0 : i32
      %dma_start3A_533 = tpu.memref_slice %arg6[%dma_start3A_530, %dma_start3A_531, %dma_start3A_532] : memref<3x4x8192xf32, #tpu.memory_space<vmem>> -> memref<1x4x8192xf32, #tpu.memory_space<vmem>>
      %dma_start3A_534 = tpu.memref_squeeze %dma_start3A_533 : memref<1x4x8192xf32, #tpu.memory_space<vmem>> -> memref<4x8192xf32, #tpu.memory_space<vmem>>
      %dma_start3A_535 = arith.constant 0 : i32
      %dma_start3A_536 = tpu.memref_slice %arg4[%add3A_529, %dma_start3A_535] : memref<8192x8192xf32, #tpu.memory_space<hbm>> -> memref<4x8192xf32, #tpu.memory_space<hbm>>
      %dma_start3A_537 = arith.constant 0 : i32
      %dma_start3A_538 = tpu.memref_slice %arg4[%add3A_529, %dma_start3A_537] : memref<8192x8192xf32, #tpu.memory_space<hbm>> -> memref<4x8192xf32, #tpu.memory_space<hbm>>
      %dma_start3A_539 = arith.constant 0 : i32
      %dma_start3A_540 = arith.constant 0 : i32
      %dma_start3A_541 = tpu.memref_slice %arg6[%dma_start3A_530, %dma_start3A_539, %dma_start3A_540] : memref<3x4x8192xf32, #tpu.memory_space<vmem>> -> memref<1x4x8192xf32, #tpu.memory_space<vmem>>
      %dma_start3A_542 = tpu.memref_squeeze %dma_start3A_541 : memref<1x4x8192xf32, #tpu.memory_space<vmem>> -> memref<4x8192xf32, #tpu.memory_space<vmem>>
      tpu.enqueue_dma source(%dma_start3A_542 : memref<4x8192xf32, #tpu.memory_space<vmem>>) target(%dma_start3A_538 : memref<4x8192xf32, #tpu.memory_space<hbm>>) target_semaphore(%arg12 : memref<!tpu.dma_semaphore, #tpu.memory_space<semaphore_mem>>)
      %dma_wait3A_543 = arith.constant 1 : i32
      %dma_wait3A_544 = arith.constant 0 : i32
      %dma_wait3A_545 = arith.constant 0 : i32
      %dma_wait3A_546 = tpu.memref_slice %arg6[%dma_wait3A_543, %dma_wait3A_544, %dma_wait3A_545] : memref<3x4x8192xf32, #tpu.memory_space<vmem>> -> memref<1x4x8192xf32, #tpu.memory_space<vmem>>
      %dma_wait3A_547 = tpu.memref_squeeze %dma_wait3A_546 : memref<1x4x8192xf32, #tpu.memory_space<vmem>> -> memref<4x8192xf32, #tpu.memory_space<vmem>>
      %dma_wait3A_548 = arith.constant 0 : i32
      %dma_wait3A_549 = tpu.memref_slice %arg4[%mul3A_2, %dma_wait3A_548] : memref<8192x8192xf32, #tpu.memory_space<hbm>> -> memref<4x8192xf32, #tpu.memory_space<hbm>>
      %dma_wait3A_550 = arith.constant 0 : i32
      %dma_wait3A_551 = tpu.memref_slice %arg4[%mul3A_2, %dma_wait3A_550] : memref<8192x8192xf32, #tpu.memory_space<hbm>> -> memref<4x8192xf32, #tpu.memory_space<hbm>>
      %dma_wait3A_552 = arith.constant 0 : i32
      %dma_wait3A_553 = arith.constant 0 : i32
      %dma_wait3A_554 = tpu.memref_slice %arg6[%dma_wait3A_543, %dma_wait3A_552, %dma_wait3A_553] : memref<3x4x8192xf32, #tpu.memory_space<vmem>> -> memref<1x4x8192xf32, #tpu.memory_space<vmem>>
      %dma_wait3A_555 = tpu.memref_squeeze %dma_wait3A_554 : memref<1x4x8192xf32, #tpu.memory_space<vmem>> -> memref<4x8192xf32, #tpu.memory_space<vmem>>
      tpu.wait_dma2 semaphore(%arg11 : memref<!tpu.dma_semaphore, #tpu.memory_space<semaphore_mem>>) src(%dma_wait3A_555 : memref<4x8192xf32, #tpu.memory_space<vmem>>) dst(%dma_wait3A_551 : memref<4x8192xf32, #tpu.memory_space<hbm>>)
      %add3A_556 = arith.constant 2 : i32
      %add3A_557 = arith.addi %add3A_511, %add3A_556 : i32
      %dma_start3A_558 = arith.constant 1 : i32
      %dma_start3A_559 = arith.constant 0 : i32
      %dma_start3A_560 = arith.constant 0 : i32
      %dma_start3A_561 = tpu.memref_slice %arg6[%dma_start3A_558, %dma_start3A_559, %dma_start3A_560] : memref<3x4x8192xf32, #tpu.memory_space<vmem>> -> memref<1x4x8192xf32, #tpu.memory_space<vmem>>
      %dma_start3A_562 = tpu.memref_squeeze %dma_start3A_561 : memref<1x4x8192xf32, #tpu.memory_space<vmem>> -> memref<4x8192xf32, #tpu.memory_space<vmem>>
      %dma_start3A_563 = arith.constant 0 : i32
      %dma_start3A_564 = tpu.memref_slice %arg5[%add3A_557, %dma_start3A_563] : memref<64x4xi32, #tpu.memory_space<vmem>> -> memref<1x4xi32, #tpu.memory_space<vmem>>
      %dma_start3A_565 = tpu.memref_squeeze %dma_start3A_564 : memref<1x4xi32, #tpu.memory_space<vmem>> -> memref<4xi32, #tpu.memory_space<vmem>>
      %dma_start3A_566 = arith.constant 0 : i32
      %dma_start3A_567 = arith.constant 0 : i32
      %dma_start3A_568 = tpu.memref_slice %arg3[%dma_start3A_566, %dma_start3A_567] : memref<8192x8192xf32, #tpu.memory_space<hbm>> -> memref<8192x8192xf32, #tpu.memory_space<hbm>>
      tpu.enqueue_indirect_dma source(%dma_start3A_568 : memref<8192x8192xf32, #tpu.memory_space<hbm>>) target(%dma_start3A_562 : memref<4x8192xf32, #tpu.memory_space<vmem>>) offsets(%dma_start3A_565 : memref<4xi32, #tpu.memory_space<vmem>>) semaphore(%arg8 : memref<!tpu.dma_semaphore, #tpu.memory_space<semaphore_mem>>)
    }
    %scan3A_181 = arith.constant 19 : i32
    %dma_wait3A_182 = arith.constant 0 : i32
    %dma_wait3A_183 = arith.constant 0 : i32
    %dma_wait3A_184 = arith.constant 0 : i32
    %dma_wait3A_185 = tpu.memref_slice %arg6[%dma_wait3A_182, %dma_wait3A_183, %dma_wait3A_184] : memref<3x4x8192xf32, #tpu.memory_space<vmem>> -> memref<1x4x8192xf32, #tpu.memory_space<vmem>>
    %dma_wait3A_186 = tpu.memref_squeeze %dma_wait3A_185 : memref<1x4x8192xf32, #tpu.memory_space<vmem>> -> memref<4x8192xf32, #tpu.memory_space<vmem>>
    %dma_wait3A_187 = arith.constant 0 : i32
    %dma_wait3A_188 = arith.constant 0 : i32
    %dma_wait3A_189 = tpu.memref_slice %arg3[%dma_wait3A_187, %dma_wait3A_188] : memref<8192x8192xf32, #tpu.memory_space<hbm>> -> memref<4x8192xf32, #tpu.memory_space<hbm>>
    %dma_wait3A_190 = arith.constant 0 : i32
    %dma_wait3A_191 = arith.constant 0 : i32
    %dma_wait3A_192 = tpu.memref_slice %arg6[%dma_wait3A_182, %dma_wait3A_190, %dma_wait3A_191] : memref<3x4x8192xf32, #tpu.memory_space<vmem>> -> memref<1x4x8192xf32, #tpu.memory_space<vmem>>
    %dma_wait3A_193 = tpu.memref_squeeze %dma_wait3A_192 : memref<1x4x8192xf32, #tpu.memory_space<vmem>> -> memref<4x8192xf32, #tpu.memory_space<vmem>>
    %dma_wait3A_194 = arith.constant 0 : i32
    %dma_wait3A_195 = arith.constant 0 : i32
    %dma_wait3A_196 = tpu.memref_slice %arg3[%dma_wait3A_194, %dma_wait3A_195] : memref<8192x8192xf32, #tpu.memory_space<hbm>> -> memref<4x8192xf32, #tpu.memory_space<hbm>>
    tpu.wait_dma2 semaphore(%arg7 : memref<!tpu.dma_semaphore, #tpu.memory_space<semaphore_mem>>) src(%dma_wait3A_196 : memref<4x8192xf32, #tpu.memory_space<hbm>>) dst(%dma_wait3A_193 : memref<4x8192xf32, #tpu.memory_space<vmem>>)
    %add3A_197 = arith.constant 240 : i32
    %add3A_198 = arith.addi %mul3A_2, %add3A_197 : i32
    %dma_start3A_199 = arith.constant 0 : i32
    %dma_start3A_200 = arith.constant 0 : i32
    %dma_start3A_201 = arith.constant 0 : i32
    %dma_start3A_202 = tpu.memref_slice %arg6[%dma_start3A_199, %dma_start3A_200, %dma_start3A_201] : memref<3x4x8192xf32, #tpu.memory_space<vmem>> -> memref<1x4x8192xf32, #tpu.memory_space<vmem>>
    %dma_start3A_203 = tpu.memref_squeeze %dma_start3A_202 : memref<1x4x8192xf32, #tpu.memory_space<vmem>> -> memref<4x8192xf32, #tpu.memory_space<vmem>>
    %dma_start3A_204 = arith.constant 0 : i32
    %dma_start3A_205 = tpu.memref_slice %arg4[%add3A_198, %dma_start3A_204] : memref<8192x8192xf32, #tpu.memory_space<hbm>> -> memref<4x8192xf32, #tpu.memory_space<hbm>>
    %dma_start3A_206 = arith.constant 0 : i32
    %dma_start3A_207 = tpu.memref_slice %arg4[%add3A_198, %dma_start3A_206] : memref<8192x8192xf32, #tpu.memory_space<hbm>> -> memref<4x8192xf32, #tpu.memory_space<hbm>>
    %dma_start3A_208 = arith.constant 0 : i32
    %dma_start3A_209 = arith.constant 0 : i32
    %dma_start3A_210 = tpu.memref_slice %arg6[%dma_start3A_199, %dma_start3A_208, %dma_start3A_209] : memref<3x4x8192xf32, #tpu.memory_space<vmem>> -> memref<1x4x8192xf32, #tpu.memory_space<vmem>>
    %dma_start3A_211 = tpu.memref_squeeze %dma_start3A_210 : memref<1x4x8192xf32, #tpu.memory_space<vmem>> -> memref<4x8192xf32, #tpu.memory_space<vmem>>
    tpu.enqueue_dma source(%dma_start3A_211 : memref<4x8192xf32, #tpu.memory_space<vmem>>) target(%dma_start3A_207 : memref<4x8192xf32, #tpu.memory_space<hbm>>) target_semaphore(%arg10 : memref<!tpu.dma_semaphore, #tpu.memory_space<semaphore_mem>>)
    %dma_wait3A_212 = arith.constant 2 : i32
    %dma_wait3A_213 = arith.constant 0 : i32
    %dma_wait3A_214 = arith.constant 0 : i32
    %dma_wait3A_215 = tpu.memref_slice %arg6[%dma_wait3A_212, %dma_wait3A_213, %dma_wait3A_214] : memref<3x4x8192xf32, #tpu.memory_space<vmem>> -> memref<1x4x8192xf32, #tpu.memory_space<vmem>>
    %dma_wait3A_216 = tpu.memref_squeeze %dma_wait3A_215 : memref<1x4x8192xf32, #tpu.memory_space<vmem>> -> memref<4x8192xf32, #tpu.memory_space<vmem>>
    %dma_wait3A_217 = arith.constant 0 : i32
    %dma_wait3A_218 = tpu.memref_slice %arg4[%mul3A_2, %dma_wait3A_217] : memref<8192x8192xf32, #tpu.memory_space<hbm>> -> memref<4x8192xf32, #tpu.memory_space<hbm>>
    %dma_wait3A_219 = arith.constant 0 : i32
    %dma_wait3A_220 = tpu.memref_slice %arg4[%mul3A_2, %dma_wait3A_219] : memref<8192x8192xf32, #tpu.memory_space<hbm>> -> memref<4x8192xf32, #tpu.memory_space<hbm>>
    %dma_wait3A_221 = arith.constant 0 : i32
    %dma_wait3A_222 = arith.constant 0 : i32
    %dma_wait3A_223 = tpu.memref_slice %arg6[%dma_wait3A_212, %dma_wait3A_221, %dma_wait3A_222] : memref<3x4x8192xf32, #tpu.memory_space<vmem>> -> memref<1x4x8192xf32, #tpu.memory_space<vmem>>
    %dma_wait3A_224 = tpu.memref_squeeze %dma_wait3A_223 : memref<1x4x8192xf32, #tpu.memory_space<vmem>> -> memref<4x8192xf32, #tpu.memory_space<vmem>>
    tpu.wait_dma2 semaphore(%arg12 : memref<!tpu.dma_semaphore, #tpu.memory_space<semaphore_mem>>) src(%dma_wait3A_224 : memref<4x8192xf32, #tpu.memory_space<vmem>>) dst(%dma_wait3A_220 : memref<4x8192xf32, #tpu.memory_space<hbm>>)
    %dma_start3A_225 = arith.constant 62 : i32
    %dma_start3A_226 = arith.constant 2 : i32
    %dma_start3A_227 = arith.constant 0 : i32
    %dma_start3A_228 = arith.constant 0 : i32
    %dma_start3A_229 = tpu.memref_slice %arg6[%dma_start3A_226, %dma_start3A_227, %dma_start3A_228] : memref<3x4x8192xf32, #tpu.memory_space<vmem>> -> memref<1x4x8192xf32, #tpu.memory_space<vmem>>
    %dma_start3A_230 = tpu.memref_squeeze %dma_start3A_229 : memref<1x4x8192xf32, #tpu.memory_space<vmem>> -> memref<4x8192xf32, #tpu.memory_space<vmem>>
    %dma_start3A_231 = arith.constant 0 : i32
    %dma_start3A_232 = tpu.memref_slice %arg5[%dma_start3A_225, %dma_start3A_231] : memref<64x4xi32, #tpu.memory_space<vmem>> -> memref<1x4xi32, #tpu.memory_space<vmem>>
    %dma_start3A_233 = tpu.memref_squeeze %dma_start3A_232 : memref<1x4xi32, #tpu.memory_space<vmem>> -> memref<4xi32, #tpu.memory_space<vmem>>
    %dma_start3A_234 = arith.constant 0 : i32
    %dma_start3A_235 = arith.constant 0 : i32
    %dma_start3A_236 = tpu.memref_slice %arg3[%dma_start3A_234, %dma_start3A_235] : memref<8192x8192xf32, #tpu.memory_space<hbm>> -> memref<8192x8192xf32, #tpu.memory_space<hbm>>
    tpu.enqueue_indirect_dma source(%dma_start3A_236 : memref<8192x8192xf32, #tpu.memory_space<hbm>>) target(%dma_start3A_230 : memref<4x8192xf32, #tpu.memory_space<vmem>>) offsets(%dma_start3A_233 : memref<4xi32, #tpu.memory_space<vmem>>) semaphore(%arg9 : memref<!tpu.dma_semaphore, #tpu.memory_space<semaphore_mem>>)
    %dma_wait3A_237 = arith.constant 1 : i32
    %dma_wait3A_238 = arith.constant 0 : i32
    %dma_wait3A_239 = arith.constant 0 : i32
    %dma_wait3A_240 = tpu.memref_slice %arg6[%dma_wait3A_237, %dma_wait3A_238, %dma_wait3A_239] : memref<3x4x8192xf32, #tpu.memory_space<vmem>> -> memref<1x4x8192xf32, #tpu.memory_space<vmem>>
    %dma_wait3A_241 = tpu.memref_squeeze %dma_wait3A_240 : memref<1x4x8192xf32, #tpu.memory_space<vmem>> -> memref<4x8192xf32, #tpu.memory_space<vmem>>
    %dma_wait3A_242 = arith.constant 0 : i32
    %dma_wait3A_243 = arith.constant 0 : i32
    %dma_wait3A_244 = tpu.memref_slice %arg3[%dma_wait3A_242, %dma_wait3A_243] : memref<8192x8192xf32, #tpu.memory_space<hbm>> -> memref<4x8192xf32, #tpu.memory_space<hbm>>
    %dma_wait3A_245 = arith.constant 0 : i32
    %dma_wait3A_246 = arith.constant 0 : i32
    %dma_wait3A_247 = tpu.memref_slice %arg6[%dma_wait3A_237, %dma_wait3A_245, %dma_wait3A_246] : memref<3x4x8192xf32, #tpu.memory_space<vmem>> -> memref<1x4x8192xf32, #tpu.memory_space<vmem>>
    %dma_wait3A_248 = tpu.memref_squeeze %dma_wait3A_247 : memref<1x4x8192xf32, #tpu.memory_space<vmem>> -> memref<4x8192xf32, #tpu.memory_space<vmem>>
    %dma_wait3A_249 = arith.constant 0 : i32
    %dma_wait3A_250 = arith.constant 0 : i32
    %dma_wait3A_251 = tpu.memref_slice %arg3[%dma_wait3A_249, %dma_wait3A_250] : memref<8192x8192xf32, #tpu.memory_space<hbm>> -> memref<4x8192xf32, #tpu.memory_space<hbm>>
    tpu.wait_dma2 semaphore(%arg8 : memref<!tpu.dma_semaphore, #tpu.memory_space<semaphore_mem>>) src(%dma_wait3A_251 : memref<4x8192xf32, #tpu.memory_space<hbm>>) dst(%dma_wait3A_248 : memref<4x8192xf32, #tpu.memory_space<vmem>>)
    %add3A_252 = arith.constant 244 : i32
    %add3A_253 = arith.addi %mul3A_2, %add3A_252 : i32
    %dma_start3A_254 = arith.constant 1 : i32
    %dma_start3A_255 = arith.constant 0 : i32
    %dma_start3A_256 = arith.constant 0 : i32
    %dma_start3A_257 = tpu.memref_slice %arg6[%dma_start3A_254, %dma_start3A_255, %dma_start3A_256] : memref<3x4x8192xf32, #tpu.memory_space<vmem>> -> memref<1x4x8192xf32, #tpu.memory_space<vmem>>
    %dma_start3A_258 = tpu.memref_squeeze %dma_start3A_257 : memref<1x4x8192xf32, #tpu.memory_space<vmem>> -> memref<4x8192xf32, #tpu.memory_space<vmem>>
    %dma_start3A_259 = arith.constant 0 : i32
    %dma_start3A_260 = tpu.memref_slice %arg4[%add3A_253, %dma_start3A_259] : memref<8192x8192xf32, #tpu.memory_space<hbm>> -> memref<4x8192xf32, #tpu.memory_space<hbm>>
    %dma_start3A_261 = arith.constant 0 : i32
    %dma_start3A_262 = tpu.memref_slice %arg4[%add3A_253, %dma_start3A_261] : memref<8192x8192xf32, #tpu.memory_space<hbm>> -> memref<4x8192xf32, #tpu.memory_space<hbm>>
    %dma_start3A_263 = arith.constant 0 : i32
    %dma_start3A_264 = arith.constant 0 : i32
    %dma_start3A_265 = tpu.memref_slice %arg6[%dma_start3A_254, %dma_start3A_263, %dma_start3A_264] : memref<3x4x8192xf32, #tpu.memory_space<vmem>> -> memref<1x4x8192xf32, #tpu.memory_space<vmem>>
    %dma_start3A_266 = tpu.memref_squeeze %dma_start3A_265 : memref<1x4x8192xf32, #tpu.memory_space<vmem>> -> memref<4x8192xf32, #tpu.memory_space<vmem>>
    tpu.enqueue_dma source(%dma_start3A_266 : memref<4x8192xf32, #tpu.memory_space<vmem>>) target(%dma_start3A_262 : memref<4x8192xf32, #tpu.memory_space<hbm>>) target_semaphore(%arg11 : memref<!tpu.dma_semaphore, #tpu.memory_space<semaphore_mem>>)
    %dma_wait3A_267 = arith.constant 0 : i32
    %dma_wait3A_268 = arith.constant 0 : i32
    %dma_wait3A_269 = arith.constant 0 : i32
    %dma_wait3A_270 = tpu.memref_slice %arg6[%dma_wait3A_267, %dma_wait3A_268, %dma_wait3A_269] : memref<3x4x8192xf32, #tpu.memory_space<vmem>> -> memref<1x4x8192xf32, #tpu.memory_space<vmem>>
    %dma_wait3A_271 = tpu.memref_squeeze %dma_wait3A_270 : memref<1x4x8192xf32, #tpu.memory_space<vmem>> -> memref<4x8192xf32, #tpu.memory_space<vmem>>
    %dma_wait3A_272 = arith.constant 0 : i32
    %dma_wait3A_273 = tpu.memref_slice %arg4[%mul3A_2, %dma_wait3A_272] : memref<8192x8192xf32, #tpu.memory_space<hbm>> -> memref<4x8192xf32, #tpu.memory_space<hbm>>
    %dma_wait3A_274 = arith.constant 0 : i32
    %dma_wait3A_275 = tpu.memref_slice %arg4[%mul3A_2, %dma_wait3A_274] : memref<8192x8192xf32, #tpu.memory_space<hbm>> -> memref<4x8192xf32, #tpu.memory_space<hbm>>
    %dma_wait3A_276 = arith.constant 0 : i32
    %dma_wait3A_277 = arith.constant 0 : i32
    %dma_wait3A_278 = tpu.memref_slice %arg6[%dma_wait3A_267, %dma_wait3A_276, %dma_wait3A_277] : memref<3x4x8192xf32, #tpu.memory_space<vmem>> -> memref<1x4x8192xf32, #tpu.memory_space<vmem>>
    %dma_wait3A_279 = tpu.memref_squeeze %dma_wait3A_278 : memref<1x4x8192xf32, #tpu.memory_space<vmem>> -> memref<4x8192xf32, #tpu.memory_space<vmem>>
    tpu.wait_dma2 semaphore(%arg10 : memref<!tpu.dma_semaphore, #tpu.memory_space<semaphore_mem>>) src(%dma_wait3A_279 : memref<4x8192xf32, #tpu.memory_space<vmem>>) dst(%dma_wait3A_275 : memref<4x8192xf32, #tpu.memory_space<hbm>>)
    %dma_start3A_280 = arith.constant 63 : i32
    %dma_start3A_281 = arith.constant 0 : i32
    %dma_start3A_282 = arith.constant 0 : i32
    %dma_start3A_283 = arith.constant 0 : i32
    %dma_start3A_284 = tpu.memref_slice %arg6[%dma_start3A_281, %dma_start3A_282, %dma_start3A_283] : memref<3x4x8192xf32, #tpu.memory_space<vmem>> -> memref<1x4x8192xf32, #tpu.memory_space<vmem>>
    %dma_start3A_285 = tpu.memref_squeeze %dma_start3A_284 : memref<1x4x8192xf32, #tpu.memory_space<vmem>> -> memref<4x8192xf32, #tpu.memory_space<vmem>>
    %dma_start3A_286 = arith.constant 0 : i32
    %dma_start3A_287 = tpu.memref_slice %arg5[%dma_start3A_280, %dma_start3A_286] : memref<64x4xi32, #tpu.memory_space<vmem>> -> memref<1x4xi32, #tpu.memory_space<vmem>>
    %dma_start3A_288 = tpu.memref_squeeze %dma_start3A_287 : memref<1x4xi32, #tpu.memory_space<vmem>> -> memref<4xi32, #tpu.memory_space<vmem>>
    %dma_start3A_289 = arith.constant 0 : i32
    %dma_start3A_290 = arith.constant 0 : i32
    %dma_start3A_291 = tpu.memref_slice %arg3[%dma_start3A_289, %dma_start3A_290] : memref<8192x8192xf32, #tpu.memory_space<hbm>> -> memref<8192x8192xf32, #tpu.memory_space<hbm>>
    tpu.enqueue_indirect_dma source(%dma_start3A_291 : memref<8192x8192xf32, #tpu.memory_space<hbm>>) target(%dma_start3A_285 : memref<4x8192xf32, #tpu.memory_space<vmem>>) offsets(%dma_start3A_288 : memref<4xi32, #tpu.memory_space<vmem>>) semaphore(%arg7 : memref<!tpu.dma_semaphore, #tpu.memory_space<semaphore_mem>>)
    %dma_wait3A_292 = arith.constant 2 : i32
    %dma_wait3A_293 = arith.constant 0 : i32
    %dma_wait3A_294 = arith.constant 0 : i32
    %dma_wait3A_295 = tpu.memref_slice %arg6[%dma_wait3A_292, %dma_wait3A_293, %dma_wait3A_294] : memref<3x4x8192xf32, #tpu.memory_space<vmem>> -> memref<1x4x8192xf32, #tpu.memory_space<vmem>>
    %dma_wait3A_296 = tpu.memref_squeeze %dma_wait3A_295 : memref<1x4x8192xf32, #tpu.memory_space<vmem>> -> memref<4x8192xf32, #tpu.memory_space<vmem>>
    %dma_wait3A_297 = arith.constant 0 : i32
    %dma_wait3A_298 = arith.constant 0 : i32
    %dma_wait3A_299 = tpu.memref_slice %arg3[%dma_wait3A_297, %dma_wait3A_298] : memref<8192x8192xf32, #tpu.memory_space<hbm>> -> memref<4x8192xf32, #tpu.memory_space<hbm>>
    %dma_wait3A_300 = arith.constant 0 : i32
    %dma_wait3A_301 = arith.constant 0 : i32
    %dma_wait3A_302 = tpu.memref_slice %arg6[%dma_wait3A_292, %dma_wait3A_300, %dma_wait3A_301] : memref<3x4x8192xf32, #tpu.memory_space<vmem>> -> memref<1x4x8192xf32, #tpu.memory_space<vmem>>
    %dma_wait3A_303 = tpu.memref_squeeze %dma_wait3A_302 : memref<1x4x8192xf32, #tpu.memory_space<vmem>> -> memref<4x8192xf32, #tpu.memory_space<vmem>>
    %dma_wait3A_304 = arith.constant 0 : i32
    %dma_wait3A_305 = arith.constant 0 : i32
    %dma_wait3A_306 = tpu.memref_slice %arg3[%dma_wait3A_304, %dma_wait3A_305] : memref<8192x8192xf32, #tpu.memory_space<hbm>> -> memref<4x8192xf32, #tpu.memory_space<hbm>>
    tpu.wait_dma2 semaphore(%arg9 : memref<!tpu.dma_semaphore, #tpu.memory_space<semaphore_mem>>) src(%dma_wait3A_306 : memref<4x8192xf32, #tpu.memory_space<hbm>>) dst(%dma_wait3A_303 : memref<4x8192xf32, #tpu.memory_space<vmem>>)
    %add3A_307 = arith.constant 248 : i32
    %add3A_308 = arith.addi %mul3A_2, %add3A_307 : i32
    %dma_start3A_309 = arith.constant 2 : i32
    %dma_start3A_310 = arith.constant 0 : i32
    %dma_start3A_311 = arith.constant 0 : i32
    %dma_start3A_312 = tpu.memref_slice %arg6[%dma_start3A_309, %dma_start3A_310, %dma_start3A_311] : memref<3x4x8192xf32, #tpu.memory_space<vmem>> -> memref<1x4x8192xf32, #tpu.memory_space<vmem>>
    %dma_start3A_313 = tpu.memref_squeeze %dma_start3A_312 : memref<1x4x8192xf32, #tpu.memory_space<vmem>> -> memref<4x8192xf32, #tpu.memory_space<vmem>>
    %dma_start3A_314 = arith.constant 0 : i32
    %dma_start3A_315 = tpu.memref_slice %arg4[%add3A_308, %dma_start3A_314] : memref<8192x8192xf32, #tpu.memory_space<hbm>> -> memref<4x8192xf32, #tpu.memory_space<hbm>>
    %dma_start3A_316 = arith.constant 0 : i32
    %dma_start3A_317 = tpu.memref_slice %arg4[%add3A_308, %dma_start3A_316] : memref<8192x8192xf32, #tpu.memory_space<hbm>> -> memref<4x8192xf32, #tpu.memory_space<hbm>>
    %dma_start3A_318 = arith.constant 0 : i32
    %dma_start3A_319 = arith.constant 0 : i32
    %dma_start3A_320 = tpu.memref_slice %arg6[%dma_start3A_309, %dma_start3A_318, %dma_start3A_319] : memref<3x4x8192xf32, #tpu.memory_space<vmem>> -> memref<1x4x8192xf32, #tpu.memory_space<vmem>>
    %dma_start3A_321 = tpu.memref_squeeze %dma_start3A_320 : memref<1x4x8192xf32, #tpu.memory_space<vmem>> -> memref<4x8192xf32, #tpu.memory_space<vmem>>
    tpu.enqueue_dma source(%dma_start3A_321 : memref<4x8192xf32, #tpu.memory_space<vmem>>) target(%dma_start3A_317 : memref<4x8192xf32, #tpu.memory_space<hbm>>) target_semaphore(%arg12 : memref<!tpu.dma_semaphore, #tpu.memory_space<semaphore_mem>>)
    %dma_wait3A_322 = arith.constant 0 : i32
    %dma_wait3A_323 = arith.constant 0 : i32
    %dma_wait3A_324 = arith.constant 0 : i32
    %dma_wait3A_325 = tpu.memref_slice %arg6[%dma_wait3A_322, %dma_wait3A_323, %dma_wait3A_324] : memref<3x4x8192xf32, #tpu.memory_space<vmem>> -> memref<1x4x8192xf32, #tpu.memory_space<vmem>>
    %dma_wait3A_326 = tpu.memref_squeeze %dma_wait3A_325 : memref<1x4x8192xf32, #tpu.memory_space<vmem>> -> memref<4x8192xf32, #tpu.memory_space<vmem>>
    %dma_wait3A_327 = arith.constant 0 : i32
    %dma_wait3A_328 = arith.constant 0 : i32
    %dma_wait3A_329 = tpu.memref_slice %arg3[%dma_wait3A_327, %dma_wait3A_328] : memref<8192x8192xf32, #tpu.memory_space<hbm>> -> memref<4x8192xf32, #tpu.memory_space<hbm>>
    %dma_wait3A_330 = arith.constant 0 : i32
    %dma_wait3A_331 = arith.constant 0 : i32
    %dma_wait3A_332 = tpu.memref_slice %arg6[%dma_wait3A_322, %dma_wait3A_330, %dma_wait3A_331] : memref<3x4x8192xf32, #tpu.memory_space<vmem>> -> memref<1x4x8192xf32, #tpu.memory_space<vmem>>
    %dma_wait3A_333 = tpu.memref_squeeze %dma_wait3A_332 : memref<1x4x8192xf32, #tpu.memory_space<vmem>> -> memref<4x8192xf32, #tpu.memory_space<vmem>>
    %dma_wait3A_334 = arith.constant 0 : i32
    %dma_wait3A_335 = arith.constant 0 : i32
    %dma_wait3A_336 = tpu.memref_slice %arg3[%dma_wait3A_334, %dma_wait3A_335] : memref<8192x8192xf32, #tpu.memory_space<hbm>> -> memref<4x8192xf32, #tpu.memory_space<hbm>>
    tpu.wait_dma2 semaphore(%arg7 : memref<!tpu.dma_semaphore, #tpu.memory_space<semaphore_mem>>) src(%dma_wait3A_336 : memref<4x8192xf32, #tpu.memory_space<hbm>>) dst(%dma_wait3A_333 : memref<4x8192xf32, #tpu.memory_space<vmem>>)
    %add3A_337 = arith.constant 252 : i32
    %add3A_338 = arith.addi %mul3A_2, %add3A_337 : i32
    %dma_start3A_339 = arith.constant 0 : i32
    %dma_start3A_340 = arith.constant 0 : i32
    %dma_start3A_341 = arith.constant 0 : i32
    %dma_start3A_342 = tpu.memref_slice %arg6[%dma_start3A_339, %dma_start3A_340, %dma_start3A_341] : memref<3x4x8192xf32, #tpu.memory_space<vmem>> -> memref<1x4x8192xf32, #tpu.memory_space<vmem>>
    %dma_start3A_343 = tpu.memref_squeeze %dma_start3A_342 : memref<1x4x8192xf32, #tpu.memory_space<vmem>> -> memref<4x8192xf32, #tpu.memory_space<vmem>>
    %dma_start3A_344 = arith.constant 0 : i32
    %dma_start3A_345 = tpu.memref_slice %arg4[%add3A_338, %dma_start3A_344] : memref<8192x8192xf32, #tpu.memory_space<hbm>> -> memref<4x8192xf32, #tpu.memory_space<hbm>>
    %dma_start3A_346 = arith.constant 0 : i32
    %dma_start3A_347 = tpu.memref_slice %arg4[%add3A_338, %dma_start3A_346] : memref<8192x8192xf32, #tpu.memory_space<hbm>> -> memref<4x8192xf32, #tpu.memory_space<hbm>>
    %dma_start3A_348 = arith.constant 0 : i32
    %dma_start3A_349 = arith.constant 0 : i32
    %dma_start3A_350 = tpu.memref_slice %arg6[%dma_start3A_339, %dma_start3A_348, %dma_start3A_349] : memref<3x4x8192xf32, #tpu.memory_space<vmem>> -> memref<1x4x8192xf32, #tpu.memory_space<vmem>>
    %dma_start3A_351 = tpu.memref_squeeze %dma_start3A_350 : memref<1x4x8192xf32, #tpu.memory_space<vmem>> -> memref<4x8192xf32, #tpu.memory_space<vmem>>
    tpu.enqueue_dma source(%dma_start3A_351 : memref<4x8192xf32, #tpu.memory_space<vmem>>) target(%dma_start3A_347 : memref<4x8192xf32, #tpu.memory_space<hbm>>) target_semaphore(%arg10 : memref<!tpu.dma_semaphore, #tpu.memory_space<semaphore_mem>>)
    %dma_wait3A_352 = arith.constant 1 : i32
    %dma_wait3A_353 = arith.constant 0 : i32
    %dma_wait3A_354 = arith.constant 0 : i32
    %dma_wait3A_355 = tpu.memref_slice %arg6[%dma_wait3A_352, %dma_wait3A_353, %dma_wait3A_354] : memref<3x4x8192xf32, #tpu.memory_space<vmem>> -> memref<1x4x8192xf32, #tpu.memory_space<vmem>>
    %dma_wait3A_356 = tpu.memref_squeeze %dma_wait3A_355 : memref<1x4x8192xf32, #tpu.memory_space<vmem>> -> memref<4x8192xf32, #tpu.memory_space<vmem>>
    %dma_wait3A_357 = arith.constant 0 : i32
    %dma_wait3A_358 = tpu.memref_slice %arg4[%mul3A_2, %dma_wait3A_357] : memref<8192x8192xf32, #tpu.memory_space<hbm>> -> memref<4x8192xf32, #tpu.memory_space<hbm>>
    %dma_wait3A_359 = arith.constant 0 : i32
    %dma_wait3A_360 = tpu.memref_slice %arg4[%mul3A_2, %dma_wait3A_359] : memref<8192x8192xf32, #tpu.memory_space<hbm>> -> memref<4x8192xf32, #tpu.memory_space<hbm>>
    %dma_wait3A_361 = arith.constant 0 : i32
    %dma_wait3A_362 = arith.constant 0 : i32
    %dma_wait3A_363 = tpu.memref_slice %arg6[%dma_wait3A_352, %dma_wait3A_361, %dma_wait3A_362] : memref<3x4x8192xf32, #tpu.memory_space<vmem>> -> memref<1x4x8192xf32, #tpu.memory_space<vmem>>
    %dma_wait3A_364 = tpu.memref_squeeze %dma_wait3A_363 : memref<1x4x8192xf32, #tpu.memory_space<vmem>> -> memref<4x8192xf32, #tpu.memory_space<vmem>>
    tpu.wait_dma2 semaphore(%arg11 : memref<!tpu.dma_semaphore, #tpu.memory_space<semaphore_mem>>) src(%dma_wait3A_364 : memref<4x8192xf32, #tpu.memory_space<vmem>>) dst(%dma_wait3A_360 : memref<4x8192xf32, #tpu.memory_space<hbm>>)
    %dma_wait3A_365 = arith.constant 2 : i32
    %dma_wait3A_366 = arith.constant 0 : i32
    %dma_wait3A_367 = arith.constant 0 : i32
    %dma_wait3A_368 = tpu.memref_slice %arg6[%dma_wait3A_365, %dma_wait3A_366, %dma_wait3A_367] : memref<3x4x8192xf32, #tpu.memory_space<vmem>> -> memref<1x4x8192xf32, #tpu.memory_space<vmem>>
    %dma_wait3A_369 = tpu.memref_squeeze %dma_wait3A_368 : memref<1x4x8192xf32, #tpu.memory_space<vmem>> -> memref<4x8192xf32, #tpu.memory_space<vmem>>
    %dma_wait3A_370 = arith.constant 0 : i32
    %dma_wait3A_371 = tpu.memref_slice %arg4[%mul3A_2, %dma_wait3A_370] : memref<8192x8192xf32, #tpu.memory_space<hbm>> -> memref<4x8192xf32, #tpu.memory_space<hbm>>
    %dma_wait3A_372 = arith.constant 0 : i32
    %dma_wait3A_373 = tpu.memref_slice %arg4[%mul3A_2, %dma_wait3A_372] : memref<8192x8192xf32, #tpu.memory_space<hbm>> -> memref<4x8192xf32, #tpu.memory_space<hbm>>
    %dma_wait3A_374 = arith.constant 0 : i32
    %dma_wait3A_375 = arith.constant 0 : i32
    %dma_wait3A_376 = tpu.memref_slice %arg6[%dma_wait3A_365, %dma_wait3A_374, %dma_wait3A_375] : memref<3x4x8192xf32, #tpu.memory_space<vmem>> -> memref<1x4x8192xf32, #tpu.memory_space<vmem>>
    %dma_wait3A_377 = tpu.memref_squeeze %dma_wait3A_376 : memref<1x4x8192xf32, #tpu.memory_space<vmem>> -> memref<4x8192xf32, #tpu.memory_space<vmem>>
    tpu.wait_dma2 semaphore(%arg12 : memref<!tpu.dma_semaphore, #tpu.memory_space<semaphore_mem>>) src(%dma_wait3A_377 : memref<4x8192xf32, #tpu.memory_space<vmem>>) dst(%dma_wait3A_373 : memref<4x8192xf32, #tpu.memory_space<hbm>>)
    %dma_wait3A_378 = arith.constant 0 : i32
    %dma_wait3A_379 = arith.constant 0 : i32
    %dma_wait3A_380 = arith.constant 0 : i32
    %dma_wait3A_381 = tpu.memref_slice %arg6[%dma_wait3A_378, %dma_wait3A_379, %dma_wait3A_380] : memref<3x4x8192xf32, #tpu.memory_space<vmem>> -> memref<1x4x8192xf32, #tpu.memory_space<vmem>>
    %dma_wait3A_382 = tpu.memref_squeeze %dma_wait3A_381 : memref<1x4x8192xf32, #tpu.memory_space<vmem>> -> memref<4x8192xf32, #tpu.memory_space<vmem>>
    %dma_wait3A_383 = arith.constant 0 : i32
    %dma_wait3A_384 = tpu.memref_slice %arg4[%mul3A_2, %dma_wait3A_383] : memref<8192x8192xf32, #tpu.memory_space<hbm>> -> memref<4x8192xf32, #tpu.memory_space<hbm>>
    %dma_wait3A_385 = arith.constant 0 : i32
    %dma_wait3A_386 = tpu.memref_slice %arg4[%mul3A_2, %dma_wait3A_385] : memref<8192x8192xf32, #tpu.memory_space<hbm>> -> memref<4x8192xf32, #tpu.memory_space<hbm>>
    %dma_wait3A_387 = arith.constant 0 : i32
    %dma_wait3A_388 = arith.constant 0 : i32
    %dma_wait3A_389 = tpu.memref_slice %arg6[%dma_wait3A_378, %dma_wait3A_387, %dma_wait3A_388] : memref<3x4x8192xf32, #tpu.memory_space<vmem>> -> memref<1x4x8192xf32, #tpu.memory_space<vmem>>
    %dma_wait3A_390 = tpu.memref_squeeze %dma_wait3A_389 : memref<1x4x8192xf32, #tpu.memory_space<vmem>> -> memref<4x8192xf32, #tpu.memory_space<vmem>>
    tpu.wait_dma2 semaphore(%arg10 : memref<!tpu.dma_semaphore, #tpu.memory_space<semaphore_mem>>) src(%dma_wait3A_390 : memref<4x8192xf32, #tpu.memory_space<vmem>>) dst(%dma_wait3A_386 : memref<4x8192xf32, #tpu.memory_space<hbm>>)
    return
  }
}

</mosaic_0001>

<sc_bundles>
// kernel: _sc_gather.3.cloned.1.call-start
scs
__scs_entry_jumppad:
0x0: {  	(pc) =	sbr.rel $0x88, $3  }
0x1: {  	(tag) =	ssettag $0x0;
	lr =	simm.s32 $0x1  }
0x2: {  	[smem:$0x3F9F] =	sst lr;
	_ =	strace $0xD0000000  }
0x3: {  	_ = 	snop  }
0x4: {  	_ = 	snop  }
0x5: {  	_ = 	snop  }
0x6: {  	_ = 	snop  }
0x7: {  	_ = 	snop  }
__scs_overlays_trampoline_lowered:
0x8: {  	[smem:$0x3FAE] =	sst s0  }
0x9: {  	[smem:$0x3FAF] =	sst s1  }
0xa: {  	[smem:$0x3FB0] =	sst s2  }
0xb: {  	[smem:$0x3FB1] =	sst s3  }
0xc: {  	[smem:$0x3FB2] =	sst s4  }
0xd: {  	[smem:$0x3FB3] =	sst s5  }
0xe: {  	[smem:$0x3FB4] =	sst s6  }
0xf: {  	[smem:$0x3FB5] =	sst s7  }
0x10: {  	[smem:$0x3FB6] =	sst s8  }
0x11: {  	[smem:$0x3FB7] =	sst s9;
	s0 =	simm.s32 @!p0 $0x0  }
0x12: {  	s1 =	sld [smem:$0x3F9D];
	s0 =	simm.s32 @p0 $0x1  }
0x13: {  	[smem:$0x3FB8] =	sst s0;
	s0 =	simm.s32 @!p1 $0x0  }
0x14: {  	s2 =	sld [smem:$0x3F9C];
	s0 =	simm.s32 @p1 $0x1  }
0x15: {  	[smem:$0x3FB9] =	sst s0;
	s0 =	simm.s32 @!p2 $0x0  }
0x16: {  	s3 =	sld [smem:$0x3FDB];
	s0 =	simm.s32 @p2 $0x1  }
0x17: {  	s4 =	simm.s32 $0x1BF5;
	[smem:$0x3FBB] =	sst s0  }
0x18: {  	s0 =	sld [smem:$0x3F9E];
	_ =	swait.ge [sflag:s4], $0x0  }
0x19: {  	s7 =	sld [smem:$0x3F9F]  }
0x1a: {  	s8 =	sadd.s32 $0xFFFFE003, lr  }
0x1b: {  	s9 =	sadd.s32 $0xFFFFFEF7, lr;
	s5 =	simm.s32 $0xFFFFFFFF;
	p2 =	slt.u32 s8, $0xFFFFF086  }
0x1c: {  	p1 =	slt.u32 s9, $0xF7A;
	s5 =	simm.s32 @!p2 $0x0  }
0x1d: {  	s5 =	simm.s32 @p1 $0x1;
	p0 =	seq.s32 s7, s2  }
0x1e: {  	s7 =	smul.u32 @!p0 $0xF7A, s2;
	p2 =	seq.s32 @!p0 s5, $0x0  }
0x1f: {  	s9 =	smul.u32 $0xF7A, s1;
	s8 =	simm.s32 @!p0 $0x1BF5;
	p2 =	por !p2, p0  }
0x20: {  	[sflag:s8] =	ssyncset.s32 @!p0 $0xFFFFF086;
	s6 =	sadd.s32 @!p0 s3, s7;
	s7 =	simm.s32 @!p0 $0x108  }
0x21: {  	s3 =	sadd.s32 s3, s9;
	s6 =	sadd.s32 @!p0 $0x88, s6;
	s7 =	simm.s32 @p2 $0x1082  }
0x22: {  	[simem:s7], [sflag:s8] =	dma.local @!p0 [hbm:s6], $0xF7A  }
0x23: {  	s9 =	sor.u32 $0xD0000000, s2;
	s6 =	simm.s32 $0x108;
	_ =	swait.ge @!p0 [sflag:s8], $0x0  }
0x24: {  	s3 =	sadd.s32 $0x88, s3;
	s6 =	simm.s32 @!p1 $0x1082;
	[sflag:s4] =	ssyncset.s32 $0xFFFFF086  }
0x25: {  	[simem:s6], [sflag:s4] =	dma.local [hbm:s3], $0xF7A  }
0x26: {  	[smem:$0x3F9F] =	sst s1;
	(tag) =	ssettag s2;
	_ =	strace s9  }
0x27: {  	s1 =	sld [smem:$0x3FAF]  }
0x28: {  	s2 =	sld [smem:$0x3FB0]  }
0x29: {  	s4 =	sld [smem:$0x3FB2]  }
0x2a: {  	p0 =	seq.s32 s5, $0x0;
	s5 =	sld [smem:$0x3FB3]  }
0x2b: {  	s6 =	sld [smem:$0x3FB4]  }
0x2c: {  	s7 =	sld [smem:$0x3FB5]  }
0x2d: {  	s3 =	simm.s32 $0x108;
	s8 =	sld [smem:$0x3FB6]  }
0x2e: {  	s3 =	simm.s32 @!p0 $0x1082;
	s9 =	sld [smem:$0x3FB7]  }
0x2f: {  	lr =	sadd.s32 s0, s3;
	s0 =	sld [smem:$0x3FAE]  }
0x30: {  	s3 =	sld [smem:$0x3FB1]  }
0x31: {  	[smem:$0x3FBA] =	sst s10  }
0x32: {  	s10 =	sld [smem:$0x3FB8];
	_ =	sdelay $0x3  }
0x33: {  	p0 =	seq.s32 s10, $0x1;
	s10 =	sld [smem:$0x3FBA];
	_ =	sdelay $0x3  }
0x34: {  	[smem:$0x3FBA] =	sst s10  }
0x35: {  	s10 =	sld [smem:$0x3FB9];
	_ =	sdelay $0x3  }
0x36: {  	p1 =	seq.s32 s10, $0x1;
	s10 =	sld [smem:$0x3FBA];
	_ =	sdelay $0x3  }
0x37: {  	[smem:$0x3FBA] =	sst s10  }
0x38: {  	s10 =	sld [smem:$0x3FBB]  }
0x39: {  	_ = 	snop;
	(pc) =	sbr.ind lr, $3  }
0x3a: {  	_ = 	snop  }
0x3b: {  	_ = 	snop  }
0x3c: {  	p2 =	seq.s32 s10, $0x1;
	s10 =	sld [smem:$0x3FBA]  }
0x3d: {  	_ =	shalt  }
0x3e: {  	_ =	shalt  }
0x3f: {  	_ =	shalt  }
0x40: {  	_ =	shalt  }
0x41: {  	_ =	shalt  }
0x42: {  	_ =	shalt  }
0x43: {  	_ =	shalt  }
0x44: {  	_ =	shalt  }
0x45: {  	_ =	shalt  }
0x46: {  	_ =	shalt  }
0x47: {  	_ =	shalt  }
0x48: {  	_ =	shalt  }
0x49: {  	_ =	shalt  }
0x4a: {  	_ =	shalt  }
0x4b: {  	_ =	shalt  }
0x4c: {  	_ =	shalt  }
0x4d: {  	_ =	shalt  }
0x4e: {  	_ =	shalt  }
0x4f: {  	_ =	shalt  }
0x50: {  	_ =	shalt  }
0x51: {  	_ =	shalt  }
0x52: {  	_ =	shalt  }
0x53: {  	_ =	shalt  }
0x54: {  	_ =	shalt  }
0x55: {  	_ =	shalt  }
0x56: {  	_ =	shalt  }
0x57: {  	_ =	shalt  }
0x58: {  	_ =	shalt  }
0x59: {  	_ =	shalt  }
0x5a: {  	_ =	shalt  }
0x5b: {  	_ =	shalt  }
0x5c: {  	_ =	shalt  }
0x5d: {  	_ =	shalt  }
0x5e: {  	_ =	shalt  }
0x5f: {  	_ =	shalt  }
0x60: {  	_ =	shalt  }
0x61: {  	_ =	shalt  }
0x62: {  	_ =	shalt  }
0x63: {  	_ =	shalt  }
0x64: {  	_ =	shalt  }
0x65: {  	_ =	shalt  }
0x66: {  	_ =	shalt  }
0x67: {  	_ =	shalt  }
0x68: {  	_ =	shalt  }
0x69: {  	_ =	shalt  }
0x6a: {  	_ =	shalt  }
0x6b: {  	_ =	shalt  }
0x6c: {  	_ =	shalt  }
0x6d: {  	_ =	shalt  }
0x6e: {  	_ =	shalt  }
0x6f: {  	_ =	shalt  }
0x70: {  	_ =	shalt  }
0x71: {  	_ =	shalt  }
0x72: {  	_ =	shalt  }
0x73: {  	_ =	shalt  }
0x74: {  	_ =	shalt  }
0x75: {  	_ =	shalt  }
0x76: {  	_ =	shalt  }
0x77: {  	_ =	shalt  }
0x78: {  	_ =	shalt  }
0x79: {  	_ =	shalt  }
0x7a: {  	_ =	shalt  }
0x7b: {  	_ =	shalt  }
0x7c: {  	_ =	shalt  }
0x7d: {  	_ =	shalt  }
0x7e: {  	_ =	shalt  }
0x7f: {  	_ =	shalt  }
0x80: {  	_ =	shalt  }
0x81: {  	_ =	shalt  }
0x82: {  	_ =	shalt  }
0x83: {  	_ =	shalt  }
0x84: {  	_ =	shalt  }
0x85: {  	_ =	shalt  }
0x86: {  	_ =	shalt  }
0x87: {  	_ =	shalt  }
.Lfunc_end0:
.L_simem_size_0:
called_computation_lowered:
.L_overlay_start_0:
0x88: {  	s2 =	sld [smem:$0x3FD9]  }
0x89: {  	s3 =	sld [smem:$0x3FFE];
	_ =	sdelay $0x1  }
0x8a: {  	s1 =	srdreg.scid  }
0x8b: {  	s0 =	sand.u32 $0x1, s1  }
0x8c: {  	s17 =	sshll.u32 s0, $0xA;
	s2 =	sadd.s32 s3, s2  }
0x8d: {  	s2 =	sadd.s32 s2, s17  }
0x8e: {  	[smem:$0x3FC6] =	sst s2  }
0x8f: {  	_ = 	snop  }
0x90: {  	s2 =	sld [smem:$0x3FC8]  }
0x91: {  	s18 =	sld [smem:$0x3FD0];
	(tm) =	ssettm $0x1  }
0x92: {  	s4 =	sld [smem:$0x3FFB];
	_ =	sdelay $0x3  }
0x93: {  	_ =	strace s4  }
0x94: {  	s4 =	sld [smem:$0x3FFC];
	_ =	sdelay $0x3  }
0x95: {  	_ =	strace s4  }
0x96: {  	s4 =	sld [smem:$0x3FFD];
	_ =	sdelay $0x3  }
0x97: {  	_ =	strace s4  }
0x98: {  	_ =	strace $0x8FFFFFFF  }
0x99: {  	s19 =	sld [smem:$0x3FDB];
	_ =	sdelay $0x1  }
0x9a: {  	s5 =	simm.s32 $_scs_section_size  }
0x9b: {  	s6 =	simm.s32 $_size__tile_overlayer_lowered;
	s7 =	simm.s32 $_tile_overlayer_lowered  }
0x9c: {  	s22 =	simm.s32 $0x1BFF;
	s21 =	sshll.u32 s7, $0x1;
	s4 =	sadd.s32 s5, s19  }
0x9d: {  	s8 =	simm.s32 $0x0;
	s20 =	sshll.u32 s6, $0x1;
	s6 =	sadd.s32 s21, s4  }
0x9e: {  	[timem:s8], [sflag:s22] =	dma.local [hbm:s6], s20  }
0x9f: {  	_ =	swait.ge [sflag:s22], s20  }
0xa0: {  	s5 =	ssub.s32 $0x0, s20;
	[sflag:s22] =	ssyncset.done $0x0  }
0xa1: {  	[sflag:s22] =	ssyncadd.s32 s5;
	_ =	sdelay $0x1  }
0xa2: {  	s23 =	simm.s32 $0x1B8B  }
0xa3: {  	_ =	swait.ge [sflag:s23], $0x1  }
0xa4: {  	[sflag:s23] =	ssyncset.done $0x0  }
0xa5: {  	s25 =	simm.s32 $0x1B8E;
	s24 =	sld [smem:$0x3FFE];
	[sflag:s23] =	ssyncadd.s32 $0xFFFFFFFF  }
0xa6: {  	s26 =	simm.s32 $execute0_lowered;
	[smem:$0x3FD2] =	sst s25  }
0xa7: {  	s6 =	sshll.u32 s26, $0x1;
	_ =	strace $0x80000046;
	[dreg:$0x1] =	wrdreg $0xFFFFFFFF  }
0xa8: {  	s28 =	simm.s32 $_size_execute0_lowered;
	s4 =	sadd.s32 s4, s6;
	[dreg:$0x0] =	wrdreg $0x0  }
0xa9: {  	s6 =	sshll.u32 s28, $0x1;
	[dreg:$0x2] =	wrdreg s4  }
0xaa: {  	[dreg:$0x3] =	wrdreg s6  }
0xab: {  	[dreg:$0x4] =	wrdreg $0xC0  }
0xac: {  	_ =	task [dreg:s8], $0x5FFFF  }
0xad: {  	[dreg:$0x1] =	wrdreg $0xFFFFFFFF  }
0xae: {  	[dreg:$0x0] =	wrdreg $0x60  }
0xaf: {  	[dreg:$0x2] =	wrdreg s24  }
0xb0: {  	[dreg:$0x3] =	wrdreg s2  }
0xb1: {  	[dreg:$0x4] =	wrdreg s18  }
0xb2: {  	[dreg:$0x5] =	wrdreg $0x9  }
0xb3: {  	_ =	task.clear_ibuf [dreg:s8], $0x6FFFF;
	_ =	strace $0x90000046  }
0xb4: {  	s29 =	simm.s32 $0x9;
	_ =	strace $0x80000048  }
0xb5: {  	_ =	swait.ge [sflag:s29], $0x1  }
0xb6: {  	[sflag:s29] =	ssyncadd.s32 $0xFFFFFFFF  }
0xb7: {  	_ =	strace $0x90000048  }
0xb8: {  	_ =	sfence  }
0xb9: {  	s30 =	sld [smem:$0x0];
	_ =	sdelay $0x2  }
0xba: {  	s31 =	sshll.u32 s1, $0xD;
	s1 =	sshrl.u32 s1, $0x2  }
0xbb: {  	s3 =	sand.u32 $0x4000, s31;
	s1 =	sadd.s32 s1, s30  }
0xbc: {  	s0 =	sor.u32 s3, s0;
	s1 =	sshll.u32 s1, $0x11  }
0xbd: {  	s0 =	sor.u32 s1, s0  }
0xbe: {  	s0 =	sadd.s32 $0x8F2B, s0  }
0xbf: {  	[sflag:s0] =	ssyncadd.remote.s32 $0x1  }
0xc0: {  	_ =	sfence.sel $0xFFFF  }
0xc1: {  	[dreg:$0x0] =	wrdreg $0xFFFFFFFF;
	(pc) =	sbr.abs _section_cstart, $3  }
0xc2: {  	[dreg:$0x1] =	wrdreg $0xFFFFFFFF  }
0xc3: {  	_ =	task.clear_ibuf [dreg:s8], $0x2FFFF;
	_ =	strace $0x9FFFFFFF  }
0xc4: {  	(tm) =	ssettm $0x7FFFFFFF  }
0xc5: {  	_ =	shalt  }
tec
execute0_lowered:
.L_overlay_start_1:
0x0: {  	(tag) =	ssettag $0x1  }
0x1: {  	s0 =	rddreg [dreg:$0x0]  }
0x2: {  	s20 =	rddreg [dreg:$0x1]  }
0x3: {  	s28 =	rddreg [dreg:$0x2]  }
0x4: {  	s1 =	srdreg.scid;
	s2 =	stileid.u32;
	s4 =	simm.s32 $0x0  }
0x5: {  	s1 =	sand.u32 $0x1, s1;
	s3 =	sshll.u32 s2, $0x1;
	[smem:$0x7FF] =	sst s4  }
0x6: {  	s8 =	sadd.s32 $0x600, s20;
	s9 =	sadd.s32 $0x800, s20;
	s10 =	sadd.s32 $0xA00, s20  }
0x7: {  	s11 =	sadd.s32 $0xC00, s20;
	s12 =	sadd.s32 $0xE00, s20;
	s13 =	sadd.s32 $0x1000, s20  }
0x8: {  	s14 =	sadd.s32 $0x1200, s20;
	s15 =	sadd.s32 $0x1400, s20;
	s16 =	sadd.s32 $0x1600, s20  }
0x9: {  	s17 =	sadd.s32 $0x1800, s20;
	s2 =	sshll.u32 s2, $0x13;
	s3 =	sor.u32 s1, s3  }
0xa: {  	s5 =	ssub.s32 $0x2, s1;
	_ =	strace $0x80000047;
	s1 =	sshll.u32 s1, $0x12  }
0xb: {  	s6 =	sshll.u32 s3, $0xA;
	s31 =	sshll.u32 s3, $0x12;
	s22 =	sor.u32 s1, s2  }
0xc: {  	s0 =	sadd.s32 s6, s0;
	s21 =	sadd.s32 s28, s31;
	[dreg:$0x4] =	wrdreg s22  }
0xd: {  	s18 =	sadd.s32 $0x1A00, s20;
	s0 =	sadd.s32 $0x400, s0;
	[dreg:$0x6] =	wrdreg s21  }
0xe: {  	s19 =	sadd.s32 $0x1C00, s20;
	s23 =	sadd.s32 $0x40, s21;
	[dreg:$0x5] =	wrdreg s0  }
0xf: {  	s7 =	sshrl.u32 s5, $0x1;
	s24 =	sadd.s32 $0x2000, s21;
	[dreg:$0x7] =	wrdreg s23  }
0x10: {  	s5 =	ssub.s32 s5, s7;
	s25 =	sadd.s32 $0x3C000, s21;
	[dreg:$0x8] =	wrdreg s24  }
0x11: {  	s1 =	simm.s32 $0xA800;
	s26 =	smax.u32 s5, $0x1;
	[dreg:$0x9] =	wrdreg s25  }
0x12: {  	s2 =	simm.s32 $0x0;
	s29 =	sadd.s32 $0x3C040, s21;
	[dreg:$0xa] =	wrdreg s26  }
0x13: {  	v0 =	vlaneseq.u32;
	s6 =	sadd.s32 $0x200, s20;
	s30 =	sadd.s32 $0x3E000, s21;
	[dreg:$0xb] =	wrdreg s29  }
0x14: {  	v1 =	vshrl.u32 v0, $0x2;
	s7 =	sadd.s32 $0x400, s20;
	s31 =	sadd.s32 $0x3E040, s21;
	[dreg:$0xc] =	wrdreg s30  }
0x15: {  	vm0 =	vmmov $0xffff;
	v0 =	vand.u32 $0x3, v0;
	v1 =	vmul.u32 $0x8, v1;
	s20 =	sadd.s32 $0x1E00, s20;
	[dreg:$0xd] =	wrdreg s31;
	s26 =	simm.s32 $0x6  }
.LBB2_1:
0x16: {  	[dreg:$0xe] =	wrdreg s2  }
0x17: {  	s0 =	rddreg [dreg:$0x5];
	s25 =	simm.s32 $0x7  }
0x18: {  	[tilespmem:s4], [sflag:$0x7] =	stream.linear.gather [hbm4b:s0+s4], $0x2000, $0x38;
	[tilespmem:$0x1A000] =	vst v63  }
0x19: {  	_ =	swait.ge [sflag:s25], $0x2000  }
0x1a: {  	[sflag:s25] =	ssyncset.done $0x0  }
0x1b: {  	[sflag:s25] =	ssyncadd.s32 $0xFFFFE000  }
0x1c: {  	v2 =	vld.msk [tilespmem:$0x0], $0xf;
	_ =	sdelay $0x4  }
0x1d: {  	v3 =	vshll.u32 v2, $0x6  }
0x1e: {  	v2 =	vand.u32 $0x7, v2;
	v3 =	vand.u32 $0xFFFFFE00, v3  }
0x1f: {  	v2 =	vor.u32 v2, v3  }
0x20: {  	v2 =	vperm.xlane v2, v0;
	_ =	sdelay $0x1  }
0x21: {  	v2 =	vadd.s32 v1, v2;
	_ =	sdelay $0x3  }
0x22: {  	s3 =	simm.s32 $0x2000;
	s0 =	rddreg [dreg:$0x1]  }
0x23: {  	[tilespmem:s3], [sflag:$0x1] =	stream.indirect_vreg.gather [hbm4b:s0+s4], $0x80, v2, vm0, $0xb8;
	[tilespmem:$0x1A000] =	vst v63  }
0x24: {  	s29 =	simm.s32 $0x2800  }
0x25: {  	[tilespmem:s29], [sflag:$0x1] =	stream.indirect_vreg.gather [hbm4b:s6+s4], $0x80, v2, vm0, $0xb8;
	[tilespmem:$0x1A000] =	vst v63  }
0x26: {  	s5 =	simm.s32 $0x3000  }
0x27: {  	[tilespmem:s5], [sflag:$0x1] =	stream.indirect_vreg.gather [hbm4b:s7+s4], $0x80, v2, vm0, $0xb8;
	[tilespmem:$0x1A000] =	vst v63  }
0x28: {  	s22 =	simm.s32 $0x3800  }
0x29: {  	[tilespmem:s22], [sflag:$0x1] =	stream.indirect_vreg.gather [hbm4b:s8+s4], $0x80, v2, vm0, $0xb8;
	[tilespmem:$0x1A000] =	vst v63  }
0x2a: {  	s23 =	simm.s32 $0x4000  }
0x2b: {  	[tilespmem:s23], [sflag:$0x1] =	stream.indirect_vreg.gather [hbm4b:s9+s4], $0x80, v2, vm0, $0xb8;
	[tilespmem:$0x1A000] =	vst v63  }
0x2c: {  	s25 =	simm.s32 $0x4800  }
0x2d: {  	[tilespmem:s25], [sflag:$0x1] =	stream.indirect_vreg.gather [hbm4b:s10+s4], $0x80, v2, vm0, $0xb8;
	[tilespmem:$0x1A000] =	vst v63  }
0x2e: {  	s30 =	simm.s32 $0x5000  }
0x2f: {  	[tilespmem:s30], [sflag:$0x1] =	stream.indirect_vreg.gather [hbm4b:s11+s4], $0x80, v2, vm0, $0xb8;
	[tilespmem:$0x1A000] =	vst v63  }
0x30: {  	s31 =	simm.s32 $0x5800  }
0x31: {  	[tilespmem:s31], [sflag:$0x1] =	stream.indirect_vreg.gather [hbm4b:s12+s4], $0x80, v2, vm0, $0xb8;
	[tilespmem:$0x1A000] =	vst v63  }
0x32: {  	s21 =	simm.s32 $0x6000  }
0x33: {  	[tilespmem:s21], [sflag:$0x1] =	stream.indirect_vreg.gather [hbm4b:s13+s4], $0x80, v2, vm0, $0xb8;
	[tilespmem:$0x1A000] =	vst v63  }
0x34: {  	s24 =	simm.s32 $0x6800  }
0x35: {  	[tilespmem:s24], [sflag:$0x1] =	stream.indirect_vreg.gather [hbm4b:s14+s4], $0x80, v2, vm0, $0xb8;
	[tilespmem:$0x1A000] =	vst v63  }
0x36: {  	s29 =	simm.s32 $0x7000  }
0x37: {  	[tilespmem:s29], [sflag:$0x1] =	stream.indirect_vreg.gather [hbm4b:s15+s4], $0x80, v2, vm0, $0xb8;
	[tilespmem:$0x1A000] =	vst v63  }
0x38: {  	s5 =	simm.s32 $0x7800  }
0x39: {  	[tilespmem:s5], [sflag:$0x1] =	stream.indirect_vreg.gather [hbm4b:s16+s4], $0x80, v2, vm0, $0xb8;
	[tilespmem:$0x1A000] =	vst v63  }
0x3a: {  	s21 =	simm.s32 $0x8000  }
0x3b: {  	[tilespmem:s21], [sflag:$0x1] =	stream.indirect_vreg.gather [hbm4b:s17+s4], $0x80, v2, vm0, $0xb8;
	[tilespmem:$0x1A000] =	vst v63  }
0x3c: {  	s24 =	simm.s32 $0x8800  }
0x3d: {  	[tilespmem:s24], [sflag:$0x1] =	stream.indirect_vreg.gather [hbm4b:s18+s4], $0x80, v2, vm0, $0xb8;
	[tilespmem:$0x1A000] =	vst v63  }
0x3e: {  	s29 =	simm.s32 $0x9000  }
0x3f: {  	[tilespmem:s29], [sflag:$0x1] =	stream.indirect_vreg.gather [hbm4b:s19+s4], $0x80, v2, vm0, $0xb8;
	[tilespmem:$0x1A000] =	vst v63  }
0x40: {  	s5 =	simm.s32 $0x9800  }
0x41: {  	[tilespmem:s5], [sflag:$0x1] =	stream.indirect_vreg.gather [hbm4b:s20+s4], $0x80, v2, vm0, $0xb8;
	[tilespmem:$0x1A000] =	vst v63  }
0x42: {  	v2 =	vld.msk [tilespmem:$0x80], $0xf;
	_ =	sdelay $0x4  }
0x43: {  	v3 =	vshll.u32 v2, $0x6  }
0x44: {  	v2 =	vand.u32 $0x7, v2;
	v3 =	vand.u32 $0xFFFFFE00, v3  }
0x45: {  	v2 =	vor.u32 v2, v3  }
0x46: {  	v2 =	vperm.xlane v2, v0;
	_ =	sdelay $0x1  }
0x47: {  	v2 =	vadd.s32 v1, v2;
	_ =	sdelay $0x3  }
0x48: {  	s5 =	simm.s32 $0xA000  }
0x49: {  	[tilespmem:s5], [sflag:$0x2] =	stream.indirect_vreg.gather [hbm4b:s0+s4], $0x80, v2, vm0, $0xb8;
	[tilespmem:$0x1A000] =	vst v63  }
0x4a: {  	_ = 	snop  }
0x4b: {  	[tilespmem:s1], [sflag:$0x2] =	stream.indirect_vreg.gather [hbm4b:s6+s4], $0x80, v2, vm0, $0xb8;
	[tilespmem:$0x1A000] =	vst v63  }
0x4c: {  	s29 =	simm.s32 $0xB000  }
0x4d: {  	[tilespmem:s29], [sflag:$0x2] =	stream.indirect_vreg.gather [hbm4b:s7+s4], $0x80, v2, vm0, $0xb8;
	[tilespmem:$0x1A000] =	vst v63  }
0x4e: {  	s21 =	simm.s32 $0xB800  }
0x4f: {  	[tilespmem:s21], [sflag:$0x2] =	stream.indirect_vreg.gather [hbm4b:s8+s4], $0x80, v2, vm0, $0xb8;
	[tilespmem:$0x1A000] =	vst v63  }
0x50: {  	s24 =	simm.s32 $0xC000  }
0x51: {  	[tilespmem:s24], [sflag:$0x2] =	stream.indirect_vreg.gather [hbm4b:s9+s4], $0x80, v2, vm0, $0xb8;
	[tilespmem:$0x1A000] =	vst v63  }
0x52: {  	s2 =	simm.s32 $0xC800  }
0x53: {  	[tilespmem:s2], [sflag:$0x2] =	stream.indirect_vreg.gather [hbm4b:s10+s4], $0x80, v2, vm0, $0xb8;
	[tilespmem:$0x1A000] =	vst v63  }
0x54: {  	s21 =	simm.s32 $0xD000  }
0x55: {  	[tilespmem:s21], [sflag:$0x2] =	stream.indirect_vreg.gather [hbm4b:s11+s4], $0x80, v2, vm0, $0xb8;
	[tilespmem:$0x1A000] =	vst v63  }
0x56: {  	s24 =	simm.s32 $0xD800  }
0x57: {  	[tilespmem:s24], [sflag:$0x2] =	stream.indirect_vreg.gather [hbm4b:s12+s4], $0x80, v2, vm0, $0xb8;
	[tilespmem:$0x1A000] =	vst v63  }
0x58: {  	s2 =	simm.s32 $0xE000  }
0x59: {  	[tilespmem:s2], [sflag:$0x2] =	stream.indirect_vreg.gather [hbm4b:s13+s4], $0x80, v2, vm0, $0xb8;
	[tilespmem:$0x1A000] =	vst v63  }
0x5a: {  	s21 =	simm.s32 $0xE800  }
0x5b: {  	[tilespmem:s21], [sflag:$0x2] =	stream.indirect_vreg.gather [hbm4b:s14+s4], $0x80, v2, vm0, $0xb8;
	[tilespmem:$0x1A000] =	vst v63  }
0x5c: {  	s24 =	simm.s32 $0xF000  }
0x5d: {  	[tilespmem:s24], [sflag:$0x2] =	stream.indirect_vreg.gather [hbm4b:s15+s4], $0x80, v2, vm0, $0xb8;
	[tilespmem:$0x1A000] =	vst v63  }
0x5e: {  	s2 =	simm.s32 $0xF800  }
0x5f: {  	[tilespmem:s2], [sflag:$0x2] =	stream.indirect_vreg.gather [hbm4b:s16+s4], $0x80, v2, vm0, $0xb8;
	[tilespmem:$0x1A000] =	vst v63  }
0x60: {  	s21 =	simm.s32 $0x10000  }
0x61: {  	[tilespmem:s21], [sflag:$0x2] =	stream.indirect_vreg.gather [hbm4b:s17+s4], $0x80, v2, vm0, $0xb8;
	[tilespmem:$0x1A000] =	vst v63  }
0x62: {  	s24 =	simm.s32 $0x10800  }
0x63: {  	[tilespmem:s24], [sflag:$0x2] =	stream.indirect_vreg.gather [hbm4b:s18+s4], $0x80, v2, vm0, $0xb8;
	[tilespmem:$0x1A000] =	vst v63  }
0x64: {  	s2 =	simm.s32 $0x11000  }
0x65: {  	[tilespmem:s2], [sflag:$0x2] =	stream.indirect_vreg.gather [hbm4b:s19+s4], $0x80, v2, vm0, $0xb8;
	[tilespmem:$0x1A000] =	vst v63  }
0x66: {  	s21 =	simm.s32 $0x11800;
	s24 =	simm.s32 $0x1  }
0x67: {  	[tilespmem:s21], [sflag:$0x2] =	stream.indirect_vreg.gather [hbm4b:s20+s4], $0x80, v2, vm0, $0xb8;
	[tilespmem:$0x1A000] =	vst v63  }
0x68: {  	_ =	swait.ge [sflag:s24], $0x8000  }
0x69: {  	s21 =	simm.s32 $0x400;
	[sflag:s24] =	ssyncset.done $0x0  }
0x6a: {  	s2 =	rddreg [dreg:$0x6];
	[sflag:s24] =	ssyncadd.s32 $0xFFFF8000;
	s24 =	simm.s32 $0x200  }
0x6b: {  	[hbm4b:s2+s24] =	stream.strided.scatter [tilespmem:s3], [sflag:$0x4], $0x8000, s21, s24, $0x38;
	[tilespmem:$0x1A000] =	vst v63  }
0x6c: {  	v2 =	vld.msk [tilespmem:$0x100], $0xf;
	_ =	sdelay $0x4  }
0x6d: {  	v3 =	vshll.u32 v2, $0x6  }
0x6e: {  	v2 =	vand.u32 $0x7, v2;
	v3 =	vand.u32 $0xFFFFFE00, v3  }
0x6f: {  	v2 =	vor.u32 v2, v3  }
0x70: {  	v2 =	vperm.xlane v2, v0;
	_ =	sdelay $0x1  }
0x71: {  	v2 =	vadd.s32 v1, v2;
	_ =	sdelay $0x3  }
0x72: {  	s2 =	simm.s32 $0x12000  }
0x73: {  	[tilespmem:s2], [sflag:$0x3] =	stream.indirect_vreg.gather [hbm4b:s0+s4], $0x80, v2, vm0, $0xb8;
	[tilespmem:$0x1A000] =	vst v63  }
0x74: {  	s1 =	simm.s32 $0x12800  }
0x75: {  	[tilespmem:s1], [sflag:$0x3] =	stream.indirect_vreg.gather [hbm4b:s6+s4], $0x80, v2, vm0, $0xb8;
	[tilespmem:$0x1A000] =	vst v63  }
0x76: {  	s1 =	simm.s32 $0x13000  }
0x77: {  	[tilespmem:s1], [sflag:$0x3] =	stream.indirect_vreg.gather [hbm4b:s7+s4], $0x80, v2, vm0, $0xb8;
	[tilespmem:$0x1A000] =	vst v63  }
0x78: {  	s1 =	simm.s32 $0x13800  }
0x79: {  	[tilespmem:s1], [sflag:$0x3] =	stream.indirect_vreg.gather [hbm4b:s8+s4], $0x80, v2, vm0, $0xb8;
	[tilespmem:$0x1A000] =	vst v63  }
0x7a: {  	s1 =	simm.s32 $0x14000  }
0x7b: {  	[tilespmem:s1], [sflag:$0x3] =	stream.indirect_vreg.gather [hbm4b:s9+s4], $0x80, v2, vm0, $0xb8;
	[tilespmem:$0x1A000] =	vst v63  }
0x7c: {  	s1 =	simm.s32 $0x14800  }
0x7d: {  	[tilespmem:s1], [sflag:$0x3] =	stream.indirect_vreg.gather [hbm4b:s10+s4], $0x80, v2, vm0, $0xb8;
	[tilespmem:$0x1A000] =	vst v63  }
0x7e: {  	s1 =	simm.s32 $0x15000  }
0x7f: {  	[tilespmem:s1], [sflag:$0x3] =	stream.indirect_vreg.gather [hbm4b:s11+s4], $0x80, v2, vm0, $0xb8;
	[tilespmem:$0x1A000] =	vst v63  }
0x80: {  	s1 =	simm.s32 $0x15800  }
0x81: {  	[tilespmem:s1], [sflag:$0x3] =	stream.indirect_vreg.gather [hbm4b:s12+s4], $0x80, v2, vm0, $0xb8;
	[tilespmem:$0x1A000] =	vst v63  }
0x82: {  	s1 =	simm.s32 $0x16000  }
0x83: {  	[tilespmem:s1], [sflag:$0x3] =	stream.indirect_vreg.gather [hbm4b:s13+s4], $0x80, v2, vm0, $0xb8;
	[tilespmem:$0x1A000] =	vst v63  }
0x84: {  	s1 =	simm.s32 $0x16800  }
0x85: {  	[tilespmem:s1], [sflag:$0x3] =	stream.indirect_vreg.gather [hbm4b:s14+s4], $0x80, v2, vm0, $0xb8;
	[tilespmem:$0x1A000] =	vst v63  }
0x86: {  	s1 =	simm.s32 $0x17000  }
0x87: {  	[tilespmem:s1], [sflag:$0x3] =	stream.indirect_vreg.gather [hbm4b:s15+s4], $0x80, v2, vm0, $0xb8;
	[tilespmem:$0x1A000] =	vst v63  }
0x88: {  	s1 =	simm.s32 $0x17800  }
0x89: {  	[tilespmem:s1], [sflag:$0x3] =	stream.indirect_vreg.gather [hbm4b:s16+s4], $0x80, v2, vm0, $0xb8;
	[tilespmem:$0x1A000] =	vst v63  }
0x8a: {  	s1 =	simm.s32 $0x18000  }
0x8b: {  	[tilespmem:s1], [sflag:$0x3] =	stream.indirect_vreg.gather [hbm4b:s17+s4], $0x80, v2, vm0, $0xb8;
	[tilespmem:$0x1A000] =	vst v63  }
0x8c: {  	s1 =	simm.s32 $0x18800  }
0x8d: {  	[tilespmem:s1], [sflag:$0x3] =	stream.indirect_vreg.gather [hbm4b:s18+s4], $0x80, v2, vm0, $0xb8;
	[tilespmem:$0x1A000] =	vst v63  }
0x8e: {  	s1 =	simm.s32 $0x19000  }
0x8f: {  	[tilespmem:s1], [sflag:$0x3] =	stream.indirect_vreg.gather [hbm4b:s19+s4], $0x80, v2, vm0, $0xb8;
	[tilespmem:$0x1A000] =	vst v63  }
0x90: {  	s1 =	simm.s32 $0x19800  }
0x91: {  	[tilespmem:s1], [sflag:$0x3] =	stream.indirect_vreg.gather [hbm4b:s20+s4], $0x80, v2, vm0, $0xb8;
	[tilespmem:$0x1A000] =	vst v63  }
0x92: {  	s1 =	simm.s32 $0x2  }
0x93: {  	_ =	swait.ge [sflag:s1], $0x8000  }
0x94: {  	[sflag:s1] =	ssyncset.done $0x0  }
0x95: {  	[sflag:s1] =	ssyncadd.s32 $0xFFFF8000;
	s1 =	rddreg [dreg:$0x7]  }
0x96: {  	[hbm4b:s1+s24] =	stream.strided.scatter [tilespmem:s5], [sflag:$0x5], $0x8000, s21, s24, $0x38;
	[tilespmem:$0x1A000] =	vst v63  }
0x97: {  	s1 =	simm.s32 $0x4  }
0x98: {  	_ =	swait.ge [sflag:s1], $0x8000  }
0x99: {  	[sflag:s1] =	ssyncset.done $0x0  }
0x9a: {  	[sflag:s1] =	ssyncadd.s32 $0xFFFF8000  }
0x9b: {  	v2 =	vld.msk [tilespmem:$0x180], $0xf;
	_ =	sdelay $0x4  }
0x9c: {  	v3 =	vshll.u32 v2, $0x6  }
0x9d: {  	v2 =	vand.u32 $0x7, v2;
	v3 =	vand.u32 $0xFFFFFE00, v3  }
0x9e: {  	v2 =	vor.u32 v2, v3  }
0x9f: {  	v2 =	vperm.xlane v2, v0;
	_ =	sdelay $0x1  }
0xa0: {  	v2 =	vadd.s32 v1, v2;
	_ =	sdelay $0x4  }
0xa1: {  	[tilespmem:s3], [sflag:$0x1] =	stream.indirect_vreg.gather [hbm4b:s0+s4], $0x80, v2, vm0, $0xb8;
	[tilespmem:$0x1A000] =	vst v63  }
0xa2: {  	s3 =	simm.s32 $0x2800  }
0xa3: {  	[tilespmem:s3], [sflag:$0x1] =	stream.indirect_vreg.gather [hbm4b:s6+s4], $0x80, v2, vm0, $0xb8;
	[tilespmem:$0x1A000] =	vst v63  }
0xa4: {  	s3 =	simm.s32 $0x3000  }
0xa5: {  	[tilespmem:s3], [sflag:$0x1] =	stream.indirect_vreg.gather [hbm4b:s7+s4], $0x80, v2, vm0, $0xb8;
	[tilespmem:$0x1A000] =	vst v63  }
0xa6: {  	_ = 	snop  }
0xa7: {  	[tilespmem:s22], [sflag:$0x1] =	stream.indirect_vreg.gather [hbm4b:s8+s4], $0x80, v2, vm0, $0xb8;
	[tilespmem:$0x1A000] =	vst v63  }
0xa8: {  	_ = 	snop  }
0xa9: {  	[tilespmem:s23], [sflag:$0x1] =	stream.indirect_vreg.gather [hbm4b:s9+s4], $0x80, v2, vm0, $0xb8;
	[tilespmem:$0x1A000] =	vst v63  }
0xaa: {  	_ = 	snop  }
0xab: {  	[tilespmem:s25], [sflag:$0x1] =	stream.indirect_vreg.gather [hbm4b:s10+s4], $0x80, v2, vm0, $0xb8;
	[tilespmem:$0x1A000] =	vst v63  }
0xac: {  	_ = 	snop  }
0xad: {  	[tilespmem:s30], [sflag:$0x1] =	stream.indirect_vreg.gather [hbm4b:s11+s4], $0x80, v2, vm0, $0xb8;
	[tilespmem:$0x1A000] =	vst v63  }
0xae: {  	_ = 	snop  }
0xaf: {  	[tilespmem:s31], [sflag:$0x1] =	stream.indirect_vreg.gather [hbm4b:s12+s4], $0x80, v2, vm0, $0xb8;
	[tilespmem:$0x1A000] =	vst v63  }
0xb0: {  	s25 =	simm.s32 $0x6000  }
0xb1: {  	[tilespmem:s25], [sflag:$0x1] =	stream.indirect_vreg.gather [hbm4b:s13+s4], $0x80, v2, vm0, $0xb8;
	[tilespmem:$0x1A000] =	vst v63  }
0xb2: {  	s3 =	simm.s32 $0x6800  }
0xb3: {  	[tilespmem:s3], [sflag:$0x1] =	stream.indirect_vreg.gather [hbm4b:s14+s4], $0x80, v2, vm0, $0xb8;
	[tilespmem:$0x1A000] =	vst v63  }
0xb4: {  	s22 =	simm.s32 $0x7000  }
0xb5: {  	[tilespmem:s22], [sflag:$0x1] =	stream.indirect_vreg.gather [hbm4b:s15+s4], $0x80, v2, vm0, $0xb8;
	[tilespmem:$0x1A000] =	vst v63  }
0xb6: {  	s23 =	simm.s32 $0x7800  }
0xb7: {  	[tilespmem:s23], [sflag:$0x1] =	stream.indirect_vreg.gather [hbm4b:s16+s4], $0x80, v2, vm0, $0xb8;
	[tilespmem:$0x1A000] =	vst v63  }
0xb8: {  	s25 =	simm.s32 $0x8000  }
0xb9: {  	[tilespmem:s25], [sflag:$0x1] =	stream.indirect_vreg.gather [hbm4b:s17+s4], $0x80, v2, vm0, $0xb8;
	[tilespmem:$0x1A000] =	vst v63  }
0xba: {  	s3 =	simm.s32 $0x8800  }
0xbb: {  	[tilespmem:s3], [sflag:$0x1] =	stream.indirect_vreg.gather [hbm4b:s18+s4], $0x80, v2, vm0, $0xb8;
	[tilespmem:$0x1A000] =	vst v63  }
0xbc: {  	s22 =	simm.s32 $0x9000  }
0xbd: {  	[tilespmem:s22], [sflag:$0x1] =	stream.indirect_vreg.gather [hbm4b:s19+s4], $0x80, v2, vm0, $0xb8;
	[tilespmem:$0x1A000] =	vst v63  }
0xbe: {  	s23 =	simm.s32 $0x9800;
	s25 =	simm.s32 $0x3  }
0xbf: {  	[tilespmem:s23], [sflag:$0x1] =	stream.indirect_vreg.gather [hbm4b:s20+s4], $0x80, v2, vm0, $0xb8;
	[tilespmem:$0x1A000] =	vst v63  }
0xc0: {  	_ =	swait.ge [sflag:s25], $0x8000  }
0xc1: {  	[sflag:s25] =	ssyncset.done $0x0  }
0xc2: {  	s22 =	simm.s32 $0x5;
	s3 =	rddreg [dreg:$0x8];
	[sflag:s25] =	ssyncadd.s32 $0xFFFF8000  }
0xc3: {  	[hbm4b:s3+s24] =	stream.strided.scatter [tilespmem:s2], [sflag:$0x6], $0x8000, s21, s24, $0x38;
	[tilespmem:$0x1A000] =	vst v63  }
0xc4: {  	_ =	swait.ge [sflag:s22], $0x8000  }
0xc5: {  	[sflag:s22] =	ssyncset.done $0x0  }
0xc6: {  	[sflag:s22] =	ssyncadd.s32 $0xFFFF8000  }
0xc7: {  	v2 =	vld.msk [tilespmem:$0x200], $0xf;
	_ =	sdelay $0x4  }
0xc8: {  	v3 =	vshll.u32 v2, $0x6  }
0xc9: {  	v2 =	vand.u32 $0x7, v2;
	v3 =	vand.u32 $0xFFFFFE00, v3  }
0xca: {  	v2 =	vor.u32 v2, v3  }
0xcb: {  	v2 =	vperm.xlane v2, v0;
	_ =	sdelay $0x1  }
0xcc: {  	v2 =	vadd.s32 v1, v2;
	_ =	sdelay $0x4  }
0xcd: {  	[tilespmem:s5], [sflag:$0x2] =	stream.indirect_vreg.gather [hbm4b:s0+s4], $0x80, v2, vm0, $0xb8;
	[tilespmem:$0x1A000] =	vst v63  }
0xce: {  	s23 =	simm.s32 $0xA800  }
0xcf: {  	[tilespmem:s23], [sflag:$0x2] =	stream.indirect_vreg.gather [hbm4b:s6+s4], $0x80, v2, vm0, $0xb8;
	[tilespmem:$0x1A000] =	vst v63  }
0xd0: {  	_ = 	snop  }
0xd1: {  	[tilespmem:s29], [sflag:$0x2] =	stream.indirect_vreg.gather [hbm4b:s7+s4], $0x80, v2, vm0, $0xb8;
	[tilespmem:$0x1A000] =	vst v63  }
0xd2: {  	s24 =	simm.s32 $0xB800  }
0xd3: {  	[tilespmem:s24], [sflag:$0x2] =	stream.indirect_vreg.gather [hbm4b:s8+s4], $0x80, v2, vm0, $0xb8;
	[tilespmem:$0x1A000] =	vst v63  }
0xd4: {  	s25 =	simm.s32 $0xC000  }
0xd5: {  	[tilespmem:s25], [sflag:$0x2] =	stream.indirect_vreg.gather [hbm4b:s9+s4], $0x80, v2, vm0, $0xb8;
	[tilespmem:$0x1A000] =	vst v63  }
0xd6: {  	s29 =	simm.s32 $0xC800  }
0xd7: {  	[tilespmem:s29], [sflag:$0x2] =	stream.indirect_vreg.gather [hbm4b:s10+s4], $0x80, v2, vm0, $0xb8;
	[tilespmem:$0x1A000] =	vst v63  }
0xd8: {  	s1 =	simm.s32 $0xD000  }
0xd9: {  	[tilespmem:s1], [sflag:$0x2] =	stream.indirect_vreg.gather [hbm4b:s11+s4], $0x80, v2, vm0, $0xb8;
	[tilespmem:$0x1A000] =	vst v63  }
0xda: {  	s2 =	simm.s32 $0xD800  }
0xdb: {  	[tilespmem:s2], [sflag:$0x2] =	stream.indirect_vreg.gather [hbm4b:s12+s4], $0x80, v2, vm0, $0xb8;
	[tilespmem:$0x1A000] =	vst v63  }
0xdc: {  	s3 =	simm.s32 $0xE000  }
0xdd: {  	[tilespmem:s3], [sflag:$0x2] =	stream.indirect_vreg.gather [hbm4b:s13+s4], $0x80, v2, vm0, $0xb8;
	[tilespmem:$0x1A000] =	vst v63  }
0xde: {  	s5 =	simm.s32 $0xE800  }
0xdf: {  	[tilespmem:s5], [sflag:$0x2] =	stream.indirect_vreg.gather [hbm4b:s14+s4], $0x80, v2, vm0, $0xb8;
	[tilespmem:$0x1A000] =	vst v63  }
0xe0: {  	s21 =	simm.s32 $0xF000  }
0xe1: {  	[tilespmem:s21], [sflag:$0x2] =	stream.indirect_vreg.gather [hbm4b:s15+s4], $0x80, v2, vm0, $0xb8;
	[tilespmem:$0x1A000] =	vst v63  }
0xe2: {  	s22 =	simm.s32 $0xF800  }
0xe3: {  	[tilespmem:s22], [sflag:$0x2] =	stream.indirect_vreg.gather [hbm4b:s16+s4], $0x80, v2, vm0, $0xb8;
	[tilespmem:$0x1A000] =	vst v63  }
0xe4: {  	s23 =	simm.s32 $0x10000  }
0xe5: {  	[tilespmem:s23], [sflag:$0x2] =	stream.indirect_vreg.gather [hbm4b:s17+s4], $0x80, v2, vm0, $0xb8;
	[tilespmem:$0x1A000] =	vst v63  }
0xe6: {  	s24 =	simm.s32 $0x10800  }
0xe7: {  	[tilespmem:s24], [sflag:$0x2] =	stream.indirect_vreg.gather [hbm4b:s18+s4], $0x80, v2, vm0, $0xb8;
	[tilespmem:$0x1A000] =	vst v63  }
0xe8: {  	s30 =	simm.s32 $0x380;
	s31 =	simm.s32 $0x0;
	s25 =	simm.s32 $0x11000  }
0xe9: {  	[tilespmem:s25], [sflag:$0x2] =	stream.indirect_vreg.gather [hbm4b:s19+s4], $0x80, v2, vm0, $0xb8;
	[tilespmem:$0x1A000] =	vst v63  }
0xea: {  	s29 =	simm.s32 $0x11800;
	s3 =	simm.s32 $0x100;
	s25 =	simm.s32 $0x40  }
0xeb: {  	[tilespmem:s29], [sflag:$0x2] =	stream.indirect_vreg.gather [hbm4b:s20+s4], $0x80, v2, vm0, $0xb8;
	[tilespmem:$0x1A000] =	vst v63  }
.LBB2_2:
0xec: {  	s5 =	simm.s32 $0x1  }
0xed: {  	_ =	swait.ge [sflag:s5], $0x8000  }
0xee: {  	s1 =	rddreg [dreg:$0x4]  }
0xef: {  	s2 =	sand.u32 $0x40, s25;
	s22 =	sadd.s32 s31, s1  }
0xf0: {  	s24 =	simm.s32 $0x200;
	s21 =	simm.s32 $0x400;
	s1 =	sadd.s32 $0x3000, s22  }
0xf1: {  	[sflag:s5] =	ssyncset.done $0x0;
	s0 =	sand.u32 $0xFFFE000, s1;
	s1 =	sadd.s32 s28, s2  }
0xf2: {  	[sflag:s5] =	ssyncadd.s32 $0xFFFF8000;
	s5 =	simm.s32 $0x2000;
	s0 =	sadd.s32 s0, s1  }
0xf3: {  	[hbm4b:s0+s24] =	stream.strided.scatter [tilespmem:s5], [sflag:$0x4], $0x8000, s21, s24, $0x38;
	[tilespmem:$0x1A000] =	vst v63  }
0xf4: {  	_ =	swait.ge [sflag:s26], $0x8000  }
0xf5: {  	[sflag:s26] =	ssyncset.done $0x0  }
0xf6: {  	[sflag:s26] =	ssyncadd.s32 $0xFFFF8000  }
0xf7: {  	v2 =	vld.msk [tilespmem:s30+$0xFFFFFF00], $0xf;
	_ =	sdelay $0x4  }
0xf8: {  	v3 =	vshll.u32 v2, $0x6  }
0xf9: {  	v2 =	vand.u32 $0x7, v2;
	v3 =	vand.u32 $0xFFFFFE00, v3  }
0xfa: {  	v2 =	vor.u32 v2, v3  }
0xfb: {  	v2 =	vperm.xlane v2, v0;
	_ =	sdelay $0x1  }
0xfc: {  	v2 =	vadd.s32 v1, v2;
	_ =	sdelay $0x3  }
0xfd: {  	s23 =	smov.u32 s28;
	s26 =	simm.s32 $0x12000;
	s28 =	rddreg [dreg:$0x1]  }
0xfe: {  	[tilespmem:s26], [sflag:$0x3] =	stream.indirect_vreg.gather [hbm4b:s28+s4], $0x80, v2, vm0, $0xb8;
	[tilespmem:$0x1A000] =	vst v63  }
0xff: {  	s2 =	simm.s32 $0x12800  }
0x100: {  	[tilespmem:s2], [sflag:$0x3] =	stream.indirect_vreg.gather [hbm4b:s6+s4], $0x80, v2, vm0, $0xb8;
	[tilespmem:$0x1A000] =	vst v63  }
0x101: {  	s29 =	simm.s32 $0x13000  }
0x102: {  	[tilespmem:s29], [sflag:$0x3] =	stream.indirect_vreg.gather [hbm4b:s7+s4], $0x80, v2, vm0, $0xb8;
	[tilespmem:$0x1A000] =	vst v63  }
0x103: {  	s2 =	simm.s32 $0x13800  }
0x104: {  	[tilespmem:s2], [sflag:$0x3] =	stream.indirect_vreg.gather [hbm4b:s8+s4], $0x80, v2, vm0, $0xb8;
	[tilespmem:$0x1A000] =	vst v63  }
0x105: {  	s29 =	simm.s32 $0x14000  }
0x106: {  	[tilespmem:s29], [sflag:$0x3] =	stream.indirect_vreg.gather [hbm4b:s9+s4], $0x80, v2, vm0, $0xb8;
	[tilespmem:$0x1A000] =	vst v63  }
0x107: {  	s2 =	simm.s32 $0x14800  }
0x108: {  	[tilespmem:s2], [sflag:$0x3] =	stream.indirect_vreg.gather [hbm4b:s10+s4], $0x80, v2, vm0, $0xb8;
	[tilespmem:$0x1A000] =	vst v63  }
0x109: {  	s29 =	simm.s32 $0x15000  }
0x10a: {  	[tilespmem:s29], [sflag:$0x3] =	stream.indirect_vreg.gather [hbm4b:s11+s4], $0x80, v2, vm0, $0xb8;
	[tilespmem:$0x1A000] =	vst v63  }
0x10b: {  	s2 =	simm.s32 $0x15800  }
0x10c: {  	[tilespmem:s2], [sflag:$0x3] =	stream.indirect_vreg.gather [hbm4b:s12+s4], $0x80, v2, vm0, $0xb8;
	[tilespmem:$0x1A000] =	vst v63  }
0x10d: {  	s29 =	simm.s32 $0x16000  }
0x10e: {  	[tilespmem:s29], [sflag:$0x3] =	stream.indirect_vreg.gather [hbm4b:s13+s4], $0x80, v2, vm0, $0xb8;
	[tilespmem:$0x1A000] =	vst v63  }
0x10f: {  	s2 =	simm.s32 $0x16800  }
0x110: {  	[tilespmem:s2], [sflag:$0x3] =	stream.indirect_vreg.gather [hbm4b:s14+s4], $0x80, v2, vm0, $0xb8;
	[tilespmem:$0x1A000] =	vst v63  }
0x111: {  	s29 =	simm.s32 $0x17000  }
0x112: {  	[tilespmem:s29], [sflag:$0x3] =	stream.indirect_vreg.gather [hbm4b:s15+s4], $0x80, v2, vm0, $0xb8;
	[tilespmem:$0x1A000] =	vst v63  }
0x113: {  	s2 =	simm.s32 $0x17800  }
0x114: {  	[tilespmem:s2], [sflag:$0x3] =	stream.indirect_vreg.gather [hbm4b:s16+s4], $0x80, v2, vm0, $0xb8;
	[tilespmem:$0x1A000] =	vst v63  }
0x115: {  	s29 =	simm.s32 $0x18000  }
0x116: {  	[tilespmem:s29], [sflag:$0x3] =	stream.indirect_vreg.gather [hbm4b:s17+s4], $0x80, v2, vm0, $0xb8;
	[tilespmem:$0x1A000] =	vst v63  }
0x117: {  	s2 =	simm.s32 $0x18800  }
0x118: {  	[tilespmem:s2], [sflag:$0x3] =	stream.indirect_vreg.gather [hbm4b:s18+s4], $0x80, v2, vm0, $0xb8;
	[tilespmem:$0x1A000] =	vst v63  }
0x119: {  	s29 =	simm.s32 $0x19000  }
0x11a: {  	[tilespmem:s29], [sflag:$0x3] =	stream.indirect_vreg.gather [hbm4b:s19+s4], $0x80, v2, vm0, $0xb8;
	[tilespmem:$0x1A000] =	vst v63  }
0x11b: {  	s2 =	simm.s32 $0x19800  }
0x11c: {  	[tilespmem:s2], [sflag:$0x3] =	stream.indirect_vreg.gather [hbm4b:s20+s4], $0x80, v2, vm0, $0xb8;
	[tilespmem:$0x1A000] =	vst v63  }
0x11d: {  	s0 =	sadd.s32 $0x4000, s22;
	s29 =	simm.s32 $0x2;
	s2 =	sand.u32 $0x40, s3  }
0x11e: {  	s0 =	sand.u32 $0xFFFE000, s0;
	_ =	swait.ge [sflag:s29], $0x8000;
	s2 =	sadd.s32 s23, s2  }
0x11f: {  	[sflag:s29] =	ssyncset.done $0x0;
	s0 =	sadd.s32 s0, s2  }
0x120: {  	s2 =	simm.s32 $0xA000;
	[sflag:s29] =	ssyncadd.s32 $0xFFFF8000;
	s29 =	simm.s32 $0x4  }
0x121: {  	[hbm4b:s0+s24] =	stream.strided.scatter [tilespmem:s2], [sflag:$0x5], $0x8000, s21, s24, $0x38;
	[tilespmem:$0x1A000] =	vst v63  }
0x122: {  	_ =	swait.ge [sflag:s29], $0x8000  }
0x123: {  	[sflag:s29] =	ssyncset.done $0x0  }
0x124: {  	[sflag:s29] =	ssyncadd.s32 $0xFFFF8000  }
0x125: {  	v2 =	vld.msk [tilespmem:s30+$0xFFFFFF80], $0xf;
	_ =	sdelay $0x4  }
0x126: {  	v3 =	vshll.u32 v2, $0x6  }
0x127: {  	v2 =	vand.u32 $0x7, v2;
	v3 =	vand.u32 $0xFFFFFE00, v3  }
0x128: {  	v2 =	vor.u32 v2, v3  }
0x129: {  	v2 =	vperm.xlane v2, v0;
	_ =	sdelay $0x1  }
0x12a: {  	v2 =	vadd.s32 v1, v2;
	_ =	sdelay $0x4  }
0x12b: {  	[tilespmem:s5], [sflag:$0x1] =	stream.indirect_vreg.gather [hbm4b:s28+s4], $0x80, v2, vm0, $0xb8;
	[tilespmem:$0x1A000] =	vst v63  }
0x12c: {  	s5 =	simm.s32 $0x2800  }
0x12d: {  	[tilespmem:s5], [sflag:$0x1] =	stream.indirect_vreg.gather [hbm4b:s6+s4], $0x80, v2, vm0, $0xb8;
	[tilespmem:$0x1A000] =	vst v63  }
0x12e: {  	s29 =	simm.s32 $0x3000  }
0x12f: {  	[tilespmem:s29], [sflag:$0x1] =	stream.indirect_vreg.gather [hbm4b:s7+s4], $0x80, v2, vm0, $0xb8;
	[tilespmem:$0x1A000] =	vst v63  }
0x130: {  	s5 =	simm.s32 $0x3800  }
0x131: {  	[tilespmem:s5], [sflag:$0x1] =	stream.indirect_vreg.gather [hbm4b:s8+s4], $0x80, v2, vm0, $0xb8;
	[tilespmem:$0x1A000] =	vst v63  }
0x132: {  	s29 =	simm.s32 $0x4000  }
0x133: {  	[tilespmem:s29], [sflag:$0x1] =	stream.indirect_vreg.gather [hbm4b:s9+s4], $0x80, v2, vm0, $0xb8;
	[tilespmem:$0x1A000] =	vst v63  }
0x134: {  	s5 =	simm.s32 $0x4800  }
0x135: {  	[tilespmem:s5], [sflag:$0x1] =	stream.indirect_vreg.gather [hbm4b:s10+s4], $0x80, v2, vm0, $0xb8;
	[tilespmem:$0x1A000] =	vst v63  }
0x136: {  	s29 =	simm.s32 $0x5000  }
0x137: {  	[tilespmem:s29], [sflag:$0x1] =	stream.indirect_vreg.gather [hbm4b:s11+s4], $0x80, v2, vm0, $0xb8;
	[tilespmem:$0x1A000] =	vst v63  }
0x138: {  	s5 =	simm.s32 $0x5800  }
0x139: {  	[tilespmem:s5], [sflag:$0x1] =	stream.indirect_vreg.gather [hbm4b:s12+s4], $0x80, v2, vm0, $0xb8;
	[tilespmem:$0x1A000] =	vst v63  }
0x13a: {  	s29 =	simm.s32 $0x6000  }
0x13b: {  	[tilespmem:s29], [sflag:$0x1] =	stream.indirect_vreg.gather [hbm4b:s13+s4], $0x80, v2, vm0, $0xb8;
	[tilespmem:$0x1A000] =	vst v63  }
0x13c: {  	s5 =	simm.s32 $0x6800  }
0x13d: {  	[tilespmem:s5], [sflag:$0x1] =	stream.indirect_vreg.gather [hbm4b:s14+s4], $0x80, v2, vm0, $0xb8;
	[tilespmem:$0x1A000] =	vst v63  }
0x13e: {  	s29 =	simm.s32 $0x7000  }
0x13f: {  	[tilespmem:s29], [sflag:$0x1] =	stream.indirect_vreg.gather [hbm4b:s15+s4], $0x80, v2, vm0, $0xb8;
	[tilespmem:$0x1A000] =	vst v63  }
0x140: {  	s5 =	simm.s32 $0x7800  }
0x141: {  	[tilespmem:s5], [sflag:$0x1] =	stream.indirect_vreg.gather [hbm4b:s16+s4], $0x80, v2, vm0, $0xb8;
	[tilespmem:$0x1A000] =	vst v63  }
0x142: {  	s29 =	simm.s32 $0x8000  }
0x143: {  	[tilespmem:s29], [sflag:$0x1] =	stream.indirect_vreg.gather [hbm4b:s17+s4], $0x80, v2, vm0, $0xb8;
	[tilespmem:$0x1A000] =	vst v63  }
0x144: {  	s5 =	simm.s32 $0x8800  }
0x145: {  	[tilespmem:s5], [sflag:$0x1] =	stream.indirect_vreg.gather [hbm4b:s18+s4], $0x80, v2, vm0, $0xb8;
	[tilespmem:$0x1A000] =	vst v63  }
0x146: {  	s29 =	simm.s32 $0x9000  }
0x147: {  	[tilespmem:s29], [sflag:$0x1] =	stream.indirect_vreg.gather [hbm4b:s19+s4], $0x80, v2, vm0, $0xb8;
	[tilespmem:$0x1A000] =	vst v63  }
0x148: {  	s5 =	simm.s32 $0x9800;
	s29 =	simm.s32 $0x3  }
0x149: {  	[tilespmem:s5], [sflag:$0x1] =	stream.indirect_vreg.gather [hbm4b:s20+s4], $0x80, v2, vm0, $0xb8;
	[tilespmem:$0x1A000] =	vst v63  }
0x14a: {  	s22 =	sadd.s32 $0x5000, s22;
	_ =	swait.ge [sflag:s29], $0x8000  }
0x14b: {  	s0 =	sand.u32 $0xFFE000, s22;
	[sflag:s29] =	ssyncset.done $0x0  }
0x14c: {  	s0 =	sadd.s32 s0, s1;
	[sflag:s29] =	ssyncadd.s32 $0xFFFF8000  }
0x14d: {  	[hbm4b:s0+s24] =	stream.strided.scatter [tilespmem:s26], [sflag:$0x6], $0x8000, s21, s24, $0x38;
	[tilespmem:$0x1A000] =	vst v63  }
0x14e: {  	s24 =	simm.s32 $0x5  }
0x14f: {  	_ =	swait.ge [sflag:s24], $0x8000  }
0x150: {  	[sflag:s24] =	ssyncset.done $0x0  }
0x151: {  	[sflag:s24] =	ssyncadd.s32 $0xFFFF8000  }
0x152: {  	v2 =	vld.msk [tilespmem:s30+$0x0], $0xf;
	_ =	sdelay $0x4  }
0x153: {  	v3 =	vshll.u32 v2, $0x6  }
0x154: {  	v2 =	vand.u32 $0x7, v2;
	v3 =	vand.u32 $0xFFFFFE00, v3  }
0x155: {  	v2 =	vor.u32 v2, v3  }
0x156: {  	v2 =	vperm.xlane v2, v0;
	_ =	sdelay $0x1  }
0x157: {  	v2 =	vadd.s32 v1, v2;
	_ =	sdelay $0x4  }
0x158: {  	[tilespmem:s2], [sflag:$0x2] =	stream.indirect_vreg.gather [hbm4b:s28+s4], $0x80, v2, vm0, $0xb8;
	[tilespmem:$0x1A000] =	vst v63  }
0x159: {  	s29 =	simm.s32 $0xA800  }
0x15a: {  	[tilespmem:s29], [sflag:$0x2] =	stream.indirect_vreg.gather [hbm4b:s6+s4], $0x80, v2, vm0, $0xb8;
	[tilespmem:$0x1A000] =	vst v63  }
0x15b: {  	s1 =	simm.s32 $0xB000  }
0x15c: {  	[tilespmem:s1], [sflag:$0x2] =	stream.indirect_vreg.gather [hbm4b:s7+s4], $0x80, v2, vm0, $0xb8;
	[tilespmem:$0x1A000] =	vst v63  }
0x15d: {  	s2 =	simm.s32 $0xB800  }
0x15e: {  	[tilespmem:s2], [sflag:$0x2] =	stream.indirect_vreg.gather [hbm4b:s8+s4], $0x80, v2, vm0, $0xb8;
	[tilespmem:$0x1A000] =	vst v63  }
0x15f: {  	s21 =	simm.s32 $0xC000  }
0x160: {  	[tilespmem:s21], [sflag:$0x2] =	stream.indirect_vreg.gather [hbm4b:s9+s4], $0x80, v2, vm0, $0xb8;
	[tilespmem:$0x1A000] =	vst v63  }
0x161: {  	s22 =	simm.s32 $0xC800  }
0x162: {  	[tilespmem:s22], [sflag:$0x2] =	stream.indirect_vreg.gather [hbm4b:s10+s4], $0x80, v2, vm0, $0xb8;
	[tilespmem:$0x1A000] =	vst v63  }
0x163: {  	s28 =	smov.u32 s23;
	s23 =	simm.s32 $0xD000  }
0x164: {  	[tilespmem:s23], [sflag:$0x2] =	stream.indirect_vreg.gather [hbm4b:s11+s4], $0x80, v2, vm0, $0xb8;
	[tilespmem:$0x1A000] =	vst v63  }
0x165: {  	s24 =	simm.s32 $0xD800  }
0x166: {  	[tilespmem:s24], [sflag:$0x2] =	stream.indirect_vreg.gather [hbm4b:s12+s4], $0x80, v2, vm0, $0xb8;
	[tilespmem:$0x1A000] =	vst v63  }
0x167: {  	s29 =	simm.s32 $0xE000  }
0x168: {  	[tilespmem:s29], [sflag:$0x2] =	stream.indirect_vreg.gather [hbm4b:s13+s4], $0x80, v2, vm0, $0xb8;
	[tilespmem:$0x1A000] =	vst v63  }
0x169: {  	s1 =	simm.s32 $0xE800  }
0x16a: {  	[tilespmem:s1], [sflag:$0x2] =	stream.indirect_vreg.gather [hbm4b:s14+s4], $0x80, v2, vm0, $0xb8;
	[tilespmem:$0x1A000] =	vst v63  }
0x16b: {  	s2 =	simm.s32 $0xF000  }
0x16c: {  	[tilespmem:s2], [sflag:$0x2] =	stream.indirect_vreg.gather [hbm4b:s15+s4], $0x80, v2, vm0, $0xb8;
	[tilespmem:$0x1A000] =	vst v63  }
0x16d: {  	s21 =	simm.s32 $0xF800  }
0x16e: {  	[tilespmem:s21], [sflag:$0x2] =	stream.indirect_vreg.gather [hbm4b:s16+s4], $0x80, v2, vm0, $0xb8;
	[tilespmem:$0x1A000] =	vst v63  }
0x16f: {  	s22 =	simm.s32 $0x10000  }
0x170: {  	[tilespmem:s22], [sflag:$0x2] =	stream.indirect_vreg.gather [hbm4b:s17+s4], $0x80, v2, vm0, $0xb8;
	[tilespmem:$0x1A000] =	vst v63  }
0x171: {  	p0 =	sne.s32 s31, $0x36000;
	s23 =	simm.s32 $0x10800  }
0x172: {  	[tilespmem:s23], [sflag:$0x2] =	stream.indirect_vreg.gather [hbm4b:s18+s4], $0x80, v2, vm0, $0xb8;
	[tilespmem:$0x1A000] =	vst v63  }
.Ltmp0:
0x173: {  	s25 =	sadd.s32 $0x40, s25;
	s31 =	sadd.s32 $0x3000, s31;
	(pc) =	sbr.rel @p0 .LBB2_2-.Ltmp0, $4  }
0x174: {  	s3 =	sadd.s32 $0xC0, s3;
	s5 =	simm.s32 $0xA000;
	s24 =	simm.s32 $0x11000  }
0x175: {  	[tilespmem:s24], [sflag:$0x2] =	stream.indirect_vreg.gather [hbm4b:s19+s4], $0x80, v2, vm0, $0xb8;
	[tilespmem:$0x1A000] =	vst v63  }
0x176: {  	s26 =	simm.s32 $0x6;
	s30 =	sadd.s32 $0x180, s30;
	s29 =	simm.s32 $0x11800  }
0x177: {  	[tilespmem:s29], [sflag:$0x2] =	stream.indirect_vreg.gather [hbm4b:s20+s4], $0x80, v2, vm0, $0xb8;
	[tilespmem:$0x1A000] =	vst v63  }
0x178: {  	s3 =	simm.s32 $0x1  }
0x179: {  	_ =	swait.ge [sflag:s3], $0x8000  }
0x17a: {  	s2 =	simm.s32 $0x2000;
	s22 =	simm.s32 $0x200;
	[sflag:s3] =	ssyncset.done $0x0  }
0x17b: {  	s21 =	simm.s32 $0x400;
	s0 =	rddreg [dreg:$0x9];
	[sflag:s3] =	ssyncadd.s32 $0xFFFF8000  }
0x17c: {  	[hbm4b:s0+s22] =	stream.strided.scatter [tilespmem:s2], [sflag:$0x4], $0x8000, s21, s22, $0x38;
	[tilespmem:$0x1A000] =	vst v63  }
0x17d: {  	_ =	swait.ge [sflag:s26], $0x8000  }
0x17e: {  	[sflag:s26] =	ssyncset.done $0x0  }
0x17f: {  	[sflag:s26] =	ssyncadd.s32 $0xFFFF8000  }
0x180: {  	v2 =	vld.msk [tilespmem:$0x1F00], $0xf;
	_ =	sdelay $0x4  }
0x181: {  	v3 =	vshll.u32 v2, $0x6  }
0x182: {  	v2 =	vand.u32 $0x7, v2;
	v3 =	vand.u32 $0xFFFFFE00, v3  }
0x183: {  	v2 =	vor.u32 v2, v3  }
0x184: {  	v2 =	vperm.xlane v2, v0;
	_ =	sdelay $0x1  }
0x185: {  	v2 =	vadd.s32 v1, v2;
	_ =	sdelay $0x3  }
0x186: {  	s23 =	simm.s32 $0x12000;
	s0 =	rddreg [dreg:$0x1]  }
0x187: {  	[tilespmem:s23], [sflag:$0x3] =	stream.indirect_vreg.gather [hbm4b:s0+s4], $0x80, v2, vm0, $0xb8;
	[tilespmem:$0x1A000] =	vst v63  }
0x188: {  	s1 =	simm.s32 $0x12800  }
0x189: {  	[tilespmem:s1], [sflag:$0x3] =	stream.indirect_vreg.gather [hbm4b:s6+s4], $0x80, v2, vm0, $0xb8;
	[tilespmem:$0x1A000] =	vst v63  }
0x18a: {  	s25 =	simm.s32 $0x13000  }
0x18b: {  	[tilespmem:s25], [sflag:$0x3] =	stream.indirect_vreg.gather [hbm4b:s7+s4], $0x80, v2, vm0, $0xb8;
	[tilespmem:$0x1A000] =	vst v63  }
0x18c: {  	s29 =	simm.s32 $0x13800  }
0x18d: {  	[tilespmem:s29], [sflag:$0x3] =	stream.indirect_vreg.gather [hbm4b:s8+s4], $0x80, v2, vm0, $0xb8;
	[tilespmem:$0x1A000] =	vst v63  }
0x18e: {  	s30 =	simm.s32 $0x14000  }
0x18f: {  	[tilespmem:s30], [sflag:$0x3] =	stream.indirect_vreg.gather [hbm4b:s9+s4], $0x80, v2, vm0, $0xb8;
	[tilespmem:$0x1A000] =	vst v63  }
0x190: {  	s31 =	simm.s32 $0x14800  }
0x191: {  	[tilespmem:s31], [sflag:$0x3] =	stream.indirect_vreg.gather [hbm4b:s10+s4], $0x80, v2, vm0, $0xb8;
	[tilespmem:$0x1A000] =	vst v63  }
0x192: {  	s24 =	simm.s32 $0x15000  }
0x193: {  	[tilespmem:s24], [sflag:$0x3] =	stream.indirect_vreg.gather [hbm4b:s11+s4], $0x80, v2, vm0, $0xb8;
	[tilespmem:$0x1A000] =	vst v63  }
0x194: {  	s25 =	simm.s32 $0x15800  }
0x195: {  	[tilespmem:s25], [sflag:$0x3] =	stream.indirect_vreg.gather [hbm4b:s12+s4], $0x80, v2, vm0, $0xb8;
	[tilespmem:$0x1A000] =	vst v63  }
0x196: {  	s29 =	simm.s32 $0x16000  }
0x197: {  	[tilespmem:s29], [sflag:$0x3] =	stream.indirect_vreg.gather [hbm4b:s13+s4], $0x80, v2, vm0, $0xb8;
	[tilespmem:$0x1A000] =	vst v63  }
0x198: {  	s30 =	simm.s32 $0x16800  }
0x199: {  	[tilespmem:s30], [sflag:$0x3] =	stream.indirect_vreg.gather [hbm4b:s14+s4], $0x80, v2, vm0, $0xb8;
	[tilespmem:$0x1A000] =	vst v63  }
0x19a: {  	s31 =	simm.s32 $0x17000  }
0x19b: {  	[tilespmem:s31], [sflag:$0x3] =	stream.indirect_vreg.gather [hbm4b:s15+s4], $0x80, v2, vm0, $0xb8;
	[tilespmem:$0x1A000] =	vst v63  }
0x19c: {  	s24 =	simm.s32 $0x17800  }
0x19d: {  	[tilespmem:s24], [sflag:$0x3] =	stream.indirect_vreg.gather [hbm4b:s16+s4], $0x80, v2, vm0, $0xb8;
	[tilespmem:$0x1A000] =	vst v63  }
0x19e: {  	s25 =	simm.s32 $0x18000  }
0x19f: {  	[tilespmem:s25], [sflag:$0x3] =	stream.indirect_vreg.gather [hbm4b:s17+s4], $0x80, v2, vm0, $0xb8;
	[tilespmem:$0x1A000] =	vst v63  }
0x1a0: {  	s29 =	simm.s32 $0x18800  }
0x1a1: {  	[tilespmem:s29], [sflag:$0x3] =	stream.indirect_vreg.gather [hbm4b:s18+s4], $0x80, v2, vm0, $0xb8;
	[tilespmem:$0x1A000] =	vst v63  }
0x1a2: {  	s30 =	simm.s32 $0x19000  }
0x1a3: {  	[tilespmem:s30], [sflag:$0x3] =	stream.indirect_vreg.gather [hbm4b:s19+s4], $0x80, v2, vm0, $0xb8;
	[tilespmem:$0x1A000] =	vst v63  }
0x1a4: {  	s31 =	simm.s32 $0x19800;
	s24 =	simm.s32 $0x2  }
0x1a5: {  	[tilespmem:s31], [sflag:$0x3] =	stream.indirect_vreg.gather [hbm4b:s20+s4], $0x80, v2, vm0, $0xb8;
	[tilespmem:$0x1A000] =	vst v63  }
0x1a6: {  	_ =	swait.ge [sflag:s24], $0x8000  }
0x1a7: {  	[sflag:s24] =	ssyncset.done $0x0  }
0x1a8: {  	s1 =	simm.s32 $0x4;
	s25 =	rddreg [dreg:$0xb];
	[sflag:s24] =	ssyncadd.s32 $0xFFFF8000  }
0x1a9: {  	[hbm4b:s25+s22] =	stream.strided.scatter [tilespmem:s5], [sflag:$0x5], $0x8000, s21, s22, $0x38;
	[tilespmem:$0x1A000] =	vst v63  }
0x1aa: {  	_ =	swait.ge [sflag:s1], $0x8000  }
0x1ab: {  	[sflag:s1] =	ssyncset.done $0x0  }
0x1ac: {  	[sflag:s1] =	ssyncadd.s32 $0xFFFF8000  }
0x1ad: {  	v2 =	vld.msk [tilespmem:$0x1F80], $0xf;
	_ =	sdelay $0x4  }
0x1ae: {  	v3 =	vshll.u32 v2, $0x6  }
0x1af: {  	v2 =	vand.u32 $0x7, v2;
	v3 =	vand.u32 $0xFFFFFE00, v3  }
0x1b0: {  	v2 =	vor.u32 v2, v3  }
0x1b1: {  	v2 =	vperm.xlane v2, v0;
	_ =	sdelay $0x1  }
0x1b2: {  	v2 =	vadd.s32 v1, v2;
	_ =	sdelay $0x4  }
0x1b3: {  	[tilespmem:s2], [sflag:$0x1] =	stream.indirect_vreg.gather [hbm4b:s0+s4], $0x80, v2, vm0, $0xb8;
	[tilespmem:$0x1A000] =	vst v63  }
0x1b4: {  	s29 =	simm.s32 $0x2800  }
0x1b5: {  	[tilespmem:s29], [sflag:$0x1] =	stream.indirect_vreg.gather [hbm4b:s6+s4], $0x80, v2, vm0, $0xb8;
	[tilespmem:$0x1A000] =	vst v63  }
0x1b6: {  	s30 =	simm.s32 $0x3000  }
0x1b7: {  	[tilespmem:s30], [sflag:$0x1] =	stream.indirect_vreg.gather [hbm4b:s7+s4], $0x80, v2, vm0, $0xb8;
	[tilespmem:$0x1A000] =	vst v63  }
0x1b8: {  	s31 =	simm.s32 $0x3800  }
0x1b9: {  	[tilespmem:s31], [sflag:$0x1] =	stream.indirect_vreg.gather [hbm4b:s8+s4], $0x80, v2, vm0, $0xb8;
	[tilespmem:$0x1A000] =	vst v63  }
0x1ba: {  	s5 =	simm.s32 $0x4000  }
0x1bb: {  	[tilespmem:s5], [sflag:$0x1] =	stream.indirect_vreg.gather [hbm4b:s9+s4], $0x80, v2, vm0, $0xb8;
	[tilespmem:$0x1A000] =	vst v63  }
0x1bc: {  	s24 =	simm.s32 $0x4800  }
0x1bd: {  	[tilespmem:s24], [sflag:$0x1] =	stream.indirect_vreg.gather [hbm4b:s10+s4], $0x80, v2, vm0, $0xb8;
	[tilespmem:$0x1A000] =	vst v63  }
0x1be: {  	s25 =	simm.s32 $0x5000  }
0x1bf: {  	[tilespmem:s25], [sflag:$0x1] =	stream.indirect_vreg.gather [hbm4b:s11+s4], $0x80, v2, vm0, $0xb8;
	[tilespmem:$0x1A000] =	vst v63  }
0x1c0: {  	s29 =	simm.s32 $0x5800  }
0x1c1: {  	[tilespmem:s29], [sflag:$0x1] =	stream.indirect_vreg.gather [hbm4b:s12+s4], $0x80, v2, vm0, $0xb8;
	[tilespmem:$0x1A000] =	vst v63  }
0x1c2: {  	s30 =	simm.s32 $0x6000  }
0x1c3: {  	[tilespmem:s30], [sflag:$0x1] =	stream.indirect_vreg.gather [hbm4b:s13+s4], $0x80, v2, vm0, $0xb8;
	[tilespmem:$0x1A000] =	vst v63  }
0x1c4: {  	s31 =	simm.s32 $0x6800  }
0x1c5: {  	[tilespmem:s31], [sflag:$0x1] =	stream.indirect_vreg.gather [hbm4b:s14+s4], $0x80, v2, vm0, $0xb8;
	[tilespmem:$0x1A000] =	vst v63  }
0x1c6: {  	s5 =	simm.s32 $0x7000  }
0x1c7: {  	[tilespmem:s5], [sflag:$0x1] =	stream.indirect_vreg.gather [hbm4b:s15+s4], $0x80, v2, vm0, $0xb8;
	[tilespmem:$0x1A000] =	vst v63  }
0x1c8: {  	s24 =	simm.s32 $0x7800  }
0x1c9: {  	[tilespmem:s24], [sflag:$0x1] =	stream.indirect_vreg.gather [hbm4b:s16+s4], $0x80, v2, vm0, $0xb8;
	[tilespmem:$0x1A000] =	vst v63  }
0x1ca: {  	s25 =	simm.s32 $0x8000  }
0x1cb: {  	[tilespmem:s25], [sflag:$0x1] =	stream.indirect_vreg.gather [hbm4b:s17+s4], $0x80, v2, vm0, $0xb8;
	[tilespmem:$0x1A000] =	vst v63  }
0x1cc: {  	s29 =	simm.s32 $0x8800  }
0x1cd: {  	[tilespmem:s29], [sflag:$0x1] =	stream.indirect_vreg.gather [hbm4b:s18+s4], $0x80, v2, vm0, $0xb8;
	[tilespmem:$0x1A000] =	vst v63  }
0x1ce: {  	s30 =	simm.s32 $0x9000  }
0x1cf: {  	[tilespmem:s30], [sflag:$0x1] =	stream.indirect_vreg.gather [hbm4b:s19+s4], $0x80, v2, vm0, $0xb8;
	[tilespmem:$0x1A000] =	vst v63  }
0x1d0: {  	s31 =	simm.s32 $0x9800;
	s5 =	simm.s32 $0x3  }
0x1d1: {  	[tilespmem:s31], [sflag:$0x1] =	stream.indirect_vreg.gather [hbm4b:s20+s4], $0x80, v2, vm0, $0xb8;
	[tilespmem:$0x1A000] =	vst v63  }
0x1d2: {  	_ =	swait.ge [sflag:s5], $0x8000  }
0x1d3: {  	[sflag:s5] =	ssyncset.done $0x0  }
0x1d4: {  	s24 =	rddreg [dreg:$0xc];
	[sflag:s5] =	ssyncadd.s32 $0xFFFF8000  }
0x1d5: {  	[hbm4b:s24+s22] =	stream.strided.scatter [tilespmem:s23], [sflag:$0x6], $0x8000, s21, s22, $0x38;
	[tilespmem:$0x1A000] =	vst v63  }
0x1d6: {  	_ =	swait.ge [sflag:s3], $0x8000  }
0x1d7: {  	[sflag:s3] =	ssyncset.done $0x0  }
0x1d8: {  	s29 =	simm.s32 $0x5;
	s25 =	rddreg [dreg:$0xd];
	[sflag:s3] =	ssyncadd.s32 $0xFFFF8000  }
0x1d9: {  	[hbm4b:s25+s22] =	stream.strided.scatter [tilespmem:s2], [sflag:$0x4], $0x8000, s21, s22, $0x38;
	[tilespmem:$0x1A000] =	vst v63  }
0x1da: {  	_ =	swait.ge [sflag:s29], $0x8000  }
0x1db: {  	[sflag:s29] =	ssyncset.done $0x0  }
0x1dc: {  	[sflag:s29] =	ssyncadd.s32 $0xFFFF8000  }
0x1dd: {  	_ =	swait.ge [sflag:s26], $0x8000  }
0x1de: {  	[sflag:s26] =	ssyncset.done $0x0  }
0x1df: {  	[sflag:s26] =	ssyncadd.s32 $0xFFFF8000  }
0x1e0: {  	_ =	swait.ge [sflag:s1], $0x8000  }
0x1e1: {  	s30 =	rddreg [dreg:$0xe]  }
0x1e2: {  	s31 =	rddreg [dreg:$0xa];
	s2 =	sadd.s32 $0x1, s30  }
0x1e3: {  	p0 =	sne.s32 s2, s31  }
.Ltmp1:
0x1e4: {  	_ = 	snop;
	(pc) =	sbr.rel @p0 .LBB2_1-.Ltmp1, $3  }
0x1e5: {  	_ =	sdelay $0x1  }
0x1e6: {  	[sflag:s1] =	ssyncset.done $0x0  }
0x1e7: {  	[sflag:s1] =	ssyncadd.s32 $0xFFFF8000;
	s1 =	simm.s32 $0xA800  }
0x1e8: {  	_ =	sfence.sel $0x180000  }
0x1e9: {  	[bflag:$0x0] =	sbarrier.arrive $0xFFFF  }
0x1ea: {  	_ =	strace $0x90000047  }
0x1eb: {  	s0 =	stileid.u32;
	[bflag:$0x2] =	sbarrier.arrive $0xFFFF  }
0x1ec: {  	p0 =	sne.s32 s0, $0x0;
	s0 =	rddreg [dreg:$0x3]  }
0x1ed: {  	s0 =	sadd.s32 @!p0 $0x100000, s0  }
0x1ee: {  	[sflag:s0] =	ssyncadd.tile.s32 @!p0 $0x1;
	_ =	shalt  }
.Lfunc_end2:
_tile_overlayer_lowered:
.L_overlay_start_2:
0x1ef: {  	(tag) =	ssettag $0x2  }
0x1f0: {  	s0 =	rddreg [dreg:$0x0];
	s2 =	stileid.u32  }
0x1f1: {  	s1 =	rddreg [dreg:$0x1];
	p0 =	sne.s32 s2, $0x0  }
0x1f2: {  	s3 =	rddreg [dreg:$0x2];
	[bflag:$0x3] =	sbarrier.arrive $0xFFFF;
	s2 =	simm.s32 @!p0 $0x1C07  }
0x1f3: {  	[timem:s3], [sflag:s2] =	dma.local @!p0 [hbm:s0], s1  }
0x1f4: {  	s0 =	simm.s32 @!p0 $0x7  }
0x1f5: {  	_ =	swait.ge @!p0 [sflag:s0], s1  }
0x1f6: {  	s1 =	ssub.s32 @!p0 $0x0, s1;
	[sflag:s0] =	ssyncset.done @!p0 $0x0  }
0x1f7: {  	[sflag:s0] =	ssyncadd.s32 @!p0 s1  }
0x1f8: {  	[bflag:$0x3] =	sbarrier.arrive $0xFFFF  }
0x1f9: {  	_ =	shalt  }

</sc_bundles>
